<compile_context>
chip_gen: v7x
topology: tpu7x:2x2x1
jax: 0.10.2.dev20260603
libtpu: 0.0.44.dev20260713+nightly
codegen_flags: <defaults>
</compile_context>

<pallas_src>
import functools

import jax
import jax.numpy as jnp
from jax.experimental import pallas as pl
from jax.experimental.pallas import tpu as pltpu
from jax.experimental.pallas import tpu_sc as plsc

_BATCH = 16384
_SEQ = 30
_EMB = 64
_HIDD = 50
_CLASS = 128
_NUM_EMB = 1000000
_N_IDX = _BATCH * _SEQ
_W = 256
_WI = 128

_R = 4096
_NG = (_NUM_EMB + 4 * _R - 1) // (4 * _R)
_LASTBLK = (_NUM_EMB - 1) // _R
_VROWS = _NG * _R

_NW = 32
_B_PER_W = _N_IDX // _NW
_GCHUNK = 512
_N_GCH = _B_PER_W // _GCHUNK

_CHUNK = 512


def _proj_body(t0_ref, t1_ref, t2_ref, t3_ref, w1p_ref, b1p_ref, o_ref):
    w1p = w1p_ref[...]
    b1p = b1p_ref[...]
    hs = []
    for t_ref in (t0_ref, t1_ref, t2_ref, t3_ref):
        tq = t_ref[...].astype(jnp.bfloat16)
        hs.append(jnp.tanh(jax.lax.dot_general(
            tq, w1p, dimension_numbers=(((0,), (0,)), ((), ())),
            preferred_element_type=jnp.float32) + b1p))
    a = jax.lax.bitcast_convert_type(
        jnp.concatenate(hs[:2], axis=1), jnp.uint32)
    b = jax.lax.bitcast_convert_type(
        jnp.concatenate(hs[2:], axis=1), jnp.uint32)
    half = jnp.uint32(0x8000)
    lo = jax.lax.shift_right_logical(a + half, jnp.uint32(16))
    hi = jnp.bitwise_and(b + half, jnp.uint32(0xFFFF0000))
    o_ref[...] = jax.lax.bitcast_convert_type(
        jnp.bitwise_or(lo, hi), jnp.int32)


def _tc_project(tableT, w1p, b1p):
    tspec = lambda k: pl.BlockSpec(
        (_EMB, _R), lambda i, k=k: (0, jnp.minimum(4 * i + k, _LASTBLK)))
    return pl.pallas_call(
        _proj_body,
        grid=(_NG,),
        in_specs=[
            tspec(0), tspec(1), tspec(2), tspec(3),
            pl.BlockSpec((_EMB, _EMB), lambda i: (0, 0)),
            pl.BlockSpec((1, _EMB), lambda i: (0, 0)),
        ],
        out_specs=pl.BlockSpec((_R, _WI), lambda i: (i, 0)),
        out_shape=jax.ShapeDtypeStruct((_VROWS, _WI), jnp.int32),
    )(tableT, tableT, tableT, tableT, w1p, b1p)


def _sc_gather(h_table, idx):
    mesh = plsc.VectorSubcoreMesh(core_axis_name="c", subcore_axis_name="s")

    @functools.partial(
        pl.kernel,
        out_type=jax.ShapeDtypeStruct((_N_IDX, _WI), jnp.int32),
        mesh=mesh,
        scratch_types=[
            pltpu.VMEM((_GCHUNK,), jnp.int32),
            pltpu.VMEM((_GCHUNK, _WI), jnp.int32),
            pltpu.SemaphoreType.DMA,
        ],
    )
    def gather_kernel(table_hbm, idx_hbm, out_hbm, idx_v, rows_v, sem):
        wid = jax.lax.axis_index("s") * 2 + jax.lax.axis_index("c")
        base = wid * _B_PER_W

        @pl.loop(0, _N_GCH)
        def _(j):
            off = base + j * _GCHUNK
            pltpu.sync_copy(idx_hbm.at[pl.ds(off, _GCHUNK)], idx_v)
            pltpu.async_copy(table_hbm.at[idx_v], rows_v, sem).wait()
            pltpu.sync_copy(rows_v, out_hbm.at[pl.ds(off, _GCHUNK)])

    return gather_kernel(h_table, idx)


def _mlp_body(e_ref, m_ref, w2a_ref, b2a_ref, w2b_ref, b2b_ref, w2c_ref,
              b2c_ref, o_ref):
    rows = e_ref.shape[1]
    lane_h = jax.lax.broadcasted_iota(jnp.int32, (rows, _WI), 1) // _EMB
    acc = jnp.zeros((rows, _CLASS), jnp.float32)
    for s in range(_SEQ):
        es = e_ref[s]
        tok_q = m_ref[:, s:s + 1]
        f_lo = jax.lax.bitcast_convert_type(
            jax.lax.shift_left(es, jnp.int32(16)), jnp.float32)
        f_hi = jax.lax.bitcast_convert_type(
            jnp.bitwise_and(es, jnp.int32(-65536)), jnp.float32)
        f = jnp.where(tok_q >= 2, f_hi, f_lo)
        keep = lane_h == jnp.bitwise_and(tok_q, 1)
        es_sel = jnp.where(keep, f, 0.0).astype(jnp.bfloat16)
        acc = acc + jnp.dot(es_sel, w2a_ref[s],
                            preferred_element_type=jnp.float32)
    h2 = jnp.tanh(acc + b2a_ref[...]).astype(jnp.bfloat16)
    h3 = jnp.tanh(
        jnp.dot(h2, w2b_ref[...], preferred_element_type=jnp.float32)
        + b2b_ref[...]).astype(jnp.bfloat16)
    o_ref[...] = (
        jnp.dot(h3, w2c_ref[...], preferred_element_type=jnp.float32)
        + b2c_ref[...])


def _tc_mlp(e3, m, w2ad, b2a, w2b, b2b, w2c, b2c):
    return pl.pallas_call(
        _mlp_body,
        grid=(_BATCH // _CHUNK,),
        in_specs=[
            pl.BlockSpec((_SEQ, _CHUNK, _WI), lambda i: (0, i, 0)),
            pl.BlockSpec((_CHUNK, _SEQ), lambda i: (i, 0)),
            pl.BlockSpec((_SEQ, _WI, _CLASS), lambda i: (0, 0, 0)),
            pl.BlockSpec((1, _CLASS), lambda i: (0, 0)),
            pl.BlockSpec((_CLASS, 64), lambda i: (0, 0)),
            pl.BlockSpec((1, 64), lambda i: (0, 0)),
            pl.BlockSpec((64, _CLASS), lambda i: (0, 0)),
            pl.BlockSpec((1, _CLASS), lambda i: (0, 0)),
        ],
        out_specs=pl.BlockSpec((_CHUNK, _CLASS), lambda i: (i, 0)),
        out_shape=jax.ShapeDtypeStruct((_BATCH, _CLASS), jnp.float32),
    )(e3, m, w2ad, b2a, w2b, b2b, w2c, b2c)


def kernel(x, table, W1, b1, W2a, b2a, W2b, b2b, W2c, b2c):
    w1p = jnp.zeros((_EMB, _EMB), jnp.float32).at[:, :_HIDD].set(W1)
    w1p = w1p.astype(jnp.bfloat16)
    b1p = jnp.zeros((1, _EMB), jnp.float32).at[0, :_HIDD].set(b1)
    h_table = _tc_project(table.T, w1p, b1p)

    row = jnp.bitwise_or(
        jax.lax.shift_left(jax.lax.shift_right_logical(x, 14), 12),
        jnp.bitwise_and(x, 4095))
    m = jnp.bitwise_and(jax.lax.shift_right_logical(x, 12), 3)
    idx_t = row.T.reshape(_N_IDX)
    e = _sc_gather(h_table, idx_t)
    e3 = e.reshape(_SEQ, _BATCH, _WI)

    w2a3 = W2a.reshape(_SEQ, _HIDD, _CLASS)
    w2ad = jnp.zeros((_SEQ, _WI, _CLASS), jnp.float32)
    w2ad = (w2ad.at[:, :_HIDD, :].set(w2a3)
            .at[:, _EMB:_EMB + _HIDD, :].set(w2a3)).astype(jnp.bfloat16)
    return _tc_mlp(e3, m, w2ad, b2a.reshape(1, -1),
                   W2b.astype(jnp.bfloat16), b2b.reshape(1, -1),
                   W2c.astype(jnp.bfloat16), b2c.reshape(1, -1))

# --- scband reference (transcript-rebuilt; emitter-appended) ---
"""Pipeline reference for scband-model-26302379720934 (READ-ONLY COPY).

The authoritative reference and input builder live on the scoring server;
editing this copy changes nothing except your own understanding.
"""

import jax, jax.numpy as jnp
import numpy as np

NUM_EMB = 1000000
EMB_DIM = 64
HIDD = 50
SEQ = 30
CLASS_NUM = 128
BATCH = 16384


def setup_inputs(seed: int = 0) -> dict:
    key = jax.random.key(seed)
    ks = jax.random.split(key, 10)
    x = jax.random.randint(ks[0], (BATCH, SEQ), 0, NUM_EMB, dtype=jnp.int32)
    table = jax.random.normal(ks[1], (NUM_EMB, EMB_DIM), dtype=jnp.float32) * 0.02
    W1 = jax.random.normal(ks[2], (EMB_DIM, HIDD), dtype=jnp.float32) * (1.0 / np.sqrt(EMB_DIM))
    b1 = jnp.zeros((HIDD,), dtype=jnp.float32)
    W2a = jax.random.normal(ks[3], (SEQ * HIDD, 128), dtype=jnp.float32) * (1.0 / np.sqrt(SEQ * HIDD))
    b2a = jnp.zeros((128,), dtype=jnp.float32)
    W2b = jax.random.normal(ks[4], (128, 64), dtype=jnp.float32) * (1.0 / np.sqrt(128))
    b2b = jnp.zeros((64,), dtype=jnp.float32)
    W2c = jax.random.normal(ks[5], (64, CLASS_NUM), dtype=jnp.float32) * (1.0 / np.sqrt(64))
    b2c = jnp.zeros((CLASS_NUM,), dtype=jnp.float32)
    return {"x": x, "table": table, "W1": W1, "b1": b1, "W2a": W2a, "b2a": b2a, "W2b": W2b, "b2b": b2b, "W2c": W2c, "b2c": b2c}


def reference(x, table, W1, b1, W2a, b2a, W2b, b2b, W2c, b2c):
    # embedding lookup: [B, SEQ, EMB_DIM]
    e = jnp.take(table, x, axis=0)
    # layer1: Linear(EMB_DIM, HIDD) + Tanh
    h = jnp.tanh(e @ W1 + b1)
    # view(-1, 30 * hidd)
    flat = h.reshape(-1, SEQ * HIDD)
    # layer2: Linear(1500,128)+Tanh, Linear(128,64)+Tanh, Linear(64,class_num)
    h2 = jnp.tanh(flat @ W2a + b2a)
    h3 = jnp.tanh(h2 @ W2b + b2b)
    logits = h3 @ W2c + b2c
    return logits

if __name__ == "__main__":
    import jax
    _d = setup_inputs()
    print(jax.jit(kernel)(*tuple(_d.values())))

</pallas_src>

<mosaic_0001>
#map = affine_map<(d0, d1) -> (0, 0)>
#map1 = affine_map<(d0, d1) -> (0)>
module attributes {stable_mosaic.version = 14 : i64} {
  func.func @gather_kernel(%arg0: i32, %arg1: i32, %arg2: memref<253952x128xi32, #tpu.memory_space<hbm>>, %arg3: memref<491520xi32, #tpu.memory_space<hbm>>, %arg4: memref<491520x128xi32, #tpu.memory_space<hbm>>, %arg5: memref<512xi32, #tpu.memory_space<vmem>>, %arg6: memref<512x128xi32, #tpu.memory_space<vmem>>, %arg7: memref<!tpu.dma_semaphore, #tpu.memory_space<semaphore_mem>>) attributes {dimension_semantics = [#tpu.dimension_semantics<core_parallel>, #tpu.dimension_semantics<subcore_parallel>], iteration_bounds = array<i64: 2, 16>, scalar_prefetch = 0 : i64, scratch_operands = 3 : i64, tpu.core_type = #tpu.core_type<sc_vector_subcore>, window_params = [{transform_indices = #map}, {transform_indices = #map1}, {transform_indices = #map}]} {
    %mul3A = arith.constant 2 : i32
    %mul3A_0 = arith.muli %arg1, %mul3A : i32
    %add3A = arith.addi %mul3A_0, %arg0 : i32
    %mul3A_1 = arith.constant 15360 : i32
    %mul3A_2 = arith.muli %add3A, %mul3A_1 : i32
    %scan3A = arith.constant 0 : i32
    %scan3A_3 = arith.constant 30 : i32
    %scan3A_4 = arith.addi %scan3A, %scan3A_3 : i32
    %scan3A_5 = arith.constant 1 : i32
    scf.for %scan3A_7 = %scan3A to %scan3A_4 step %scan3A_5  : i32 {
      %mul3A_8 = arith.constant 1 : i32
      %mul3A_9 = arith.muli %scan3A_7, %mul3A_8 : i32
      %add3A_10 = arith.constant 0 : i32
      %add3A_11 = arith.addi %add3A_10, %mul3A_9 : i32
      %mul3A_12 = arith.constant 512 : i32
      %mul3A_13 = arith.muli %add3A_11, %mul3A_12 : i32
      %add3A_14 = arith.addi %mul3A_2, %mul3A_13 : i32
      "tpu.region"() ({
        %run_scoped3A = tpu.sem_alloc : memref<!tpu.dma_semaphore, #tpu.memory_space<semaphore_mem>>
        %dma_start3A_19 = tpu.memref_slice %arg3[%add3A_14] : memref<491520xi32, #tpu.memory_space<hbm>> -> memref<512xi32, #tpu.memory_space<hbm>>
        %dma_start3A_20 = tpu.memref_slice %arg3[%add3A_14] : memref<491520xi32, #tpu.memory_space<hbm>> -> memref<512xi32, #tpu.memory_space<hbm>>
        tpu.enqueue_dma source(%dma_start3A_20 : memref<512xi32, #tpu.memory_space<hbm>>) target(%arg5 : memref<512xi32, #tpu.memory_space<vmem>>) target_semaphore(%run_scoped3A : memref<!tpu.dma_semaphore, #tpu.memory_space<semaphore_mem>>)
        %dma_wait3A_21 = tpu.memref_slice %arg3[%add3A_14] : memref<491520xi32, #tpu.memory_space<hbm>> -> memref<512xi32, #tpu.memory_space<hbm>>
        %dma_wait3A_22 = tpu.memref_slice %arg3[%add3A_14] : memref<491520xi32, #tpu.memory_space<hbm>> -> memref<512xi32, #tpu.memory_space<hbm>>
        tpu.wait_dma2 semaphore(%run_scoped3A : memref<!tpu.dma_semaphore, #tpu.memory_space<semaphore_mem>>) src(%dma_wait3A_22 : memref<512xi32, #tpu.memory_space<hbm>>) dst(%arg5 : memref<512xi32, #tpu.memory_space<vmem>>)
        tpu.yield
      }) : () -> ()
      %dma_start3A = arith.constant 0 : i32
      %dma_start3A_15 = arith.constant 0 : i32
      %dma_start3A_16 = tpu.memref_slice %arg2[%dma_start3A, %dma_start3A_15] : memref<253952x128xi32, #tpu.memory_space<hbm>> -> memref<253952x128xi32, #tpu.memory_space<hbm>>
      tpu.enqueue_indirect_dma source(%dma_start3A_16 : memref<253952x128xi32, #tpu.memory_space<hbm>>) target(%arg6 : memref<512x128xi32, #tpu.memory_space<vmem>>) offsets(%arg5 : memref<512xi32, #tpu.memory_space<vmem>>) semaphore(%arg7 : memref<!tpu.dma_semaphore, #tpu.memory_space<semaphore_mem>>)
      %dma_wait3A = arith.constant 0 : i32
      %dma_wait3A_17 = arith.constant 0 : i32
      %dma_wait3A_18 = tpu.memref_slice %arg2[%dma_wait3A, %dma_wait3A_17] : memref<253952x128xi32, #tpu.memory_space<hbm>> -> memref<253952x128xi32, #tpu.memory_space<hbm>>
      tpu.wait_indirect_dma semaphore(%arg7 : memref<!tpu.dma_semaphore, #tpu.memory_space<semaphore_mem>>) src(%dma_wait3A_18 : memref<253952x128xi32, #tpu.memory_space<hbm>>) dst(%arg6 : memref<512x128xi32, #tpu.memory_space<vmem>>)
      "tpu.region"() ({
        %run_scoped3A = tpu.sem_alloc : memref<!tpu.dma_semaphore, #tpu.memory_space<semaphore_mem>>
        %dma_start3A_19 = arith.constant 0 : i32
        %dma_start3A_20 = tpu.memref_slice %arg4[%add3A_14, %dma_start3A_19] : memref<491520x128xi32, #tpu.memory_space<hbm>> -> memref<512x128xi32, #tpu.memory_space<hbm>>
        %dma_start3A_21 = arith.constant 0 : i32
        %dma_start3A_22 = tpu.memref_slice %arg4[%add3A_14, %dma_start3A_21] : memref<491520x128xi32, #tpu.memory_space<hbm>> -> memref<512x128xi32, #tpu.memory_space<hbm>>
        tpu.enqueue_dma source(%arg6 : memref<512x128xi32, #tpu.memory_space<vmem>>) target(%dma_start3A_22 : memref<512x128xi32, #tpu.memory_space<hbm>>) target_semaphore(%run_scoped3A : memref<!tpu.dma_semaphore, #tpu.memory_space<semaphore_mem>>)
        %dma_wait3A_23 = arith.constant 0 : i32
        %dma_wait3A_24 = tpu.memref_slice %arg4[%add3A_14, %dma_wait3A_23] : memref<491520x128xi32, #tpu.memory_space<hbm>> -> memref<512x128xi32, #tpu.memory_space<hbm>>
        %dma_wait3A_25 = arith.constant 0 : i32
        %dma_wait3A_26 = tpu.memref_slice %arg4[%add3A_14, %dma_wait3A_25] : memref<491520x128xi32, #tpu.memory_space<hbm>> -> memref<512x128xi32, #tpu.memory_space<hbm>>
        tpu.wait_dma2 semaphore(%run_scoped3A : memref<!tpu.dma_semaphore, #tpu.memory_space<semaphore_mem>>) src(%arg6 : memref<512x128xi32, #tpu.memory_space<vmem>>) dst(%dma_wait3A_26 : memref<512x128xi32, #tpu.memory_space<hbm>>)
        tpu.yield
      }) : () -> ()
    }
    %scan3A_6 = arith.constant 30 : i32
    return
  }
}

module attributes {stable_mosaic.version = 14 : i64} {
  func.func @_proj_body(%arg0: i32, %arg1: memref<64x4096xf32, #tpu.memory_space<vmem>>, %arg2: memref<64x4096xf32, #tpu.memory_space<vmem>>, %arg3: memref<64x4096xf32, #tpu.memory_space<vmem>>, %arg4: memref<64x4096xf32, #tpu.memory_space<vmem>>, %arg5: memref<64x64xbf16, #tpu.memory_space<vmem>>, %arg6: memref<1x64xf32, #tpu.memory_space<vmem>>, %arg7: memref<4096x128xi32, #tpu.memory_space<vmem>>) attributes {dimension_semantics = [#tpu.dimension_semantics<arbitrary>], iteration_bounds = array<i64: 62>, scalar_prefetch = 0 : i64, scratch_operands = 0 : i64, tpu.core_type = #tpu.core_type<tc>, window_params = [{transform_indices = @transform_0, window_bounds = array<i64: 64, 4096>}, {transform_indices = @transform_1, window_bounds = array<i64: 64, 4096>}, {transform_indices = @transform_2, window_bounds = array<i64: 64, 4096>}, {transform_indices = @transform_3, window_bounds = array<i64: 64, 4096>}, {pipeline_mode = #tpu.pipeline_mode<synchronous>, transform_indices = @transform_4, window_bounds = array<i64: 64, 64>}, {pipeline_mode = #tpu.pipeline_mode<synchronous>, transform_indices = @transform_5, window_bounds = array<i64: 1, 64>}, {transform_indices = @transform_6, window_bounds = array<i64: 4096, 128>}]} {
    %get3A = arith.constant 0 : index
    %get3A_0 = arith.constant 0 : index
    %get3A_1 = vector.load %arg5[%get3A, %get3A_0] : memref<64x64xbf16, #tpu.memory_space<vmem>>, vector<64x64xbf16>
    %get3A_2 = arith.constant 0 : index
    %get3A_3 = arith.constant 0 : index
    %get3A_4 = vector.load %arg6[%get3A_2, %get3A_3] : memref<1x64xf32, #tpu.memory_space<vmem>>, vector<1x64xf32>
    %get3A_5 = arith.constant 0 : index
    %get3A_6 = arith.constant 0 : index
    %get3A_7 = vector.load %arg1[%get3A_5, %get3A_6] : memref<64x4096xf32, #tpu.memory_space<vmem>>, vector<64x4096xf32>
    %convert_element_type3A = arith.truncf %get3A_7 : vector<64x4096xf32> to vector<64x4096xbf16>
    %dot_general3A = arith.constant dense<0.000000e+00> : vector<4096x64xf32>
    %dot_general3A_8 = tpu.matmul %convert_element_type3A, %get3A_1, %dot_general3A {dimension_numbers = #tpu.dot_dimension_numbers<[0], [0], [1], [1], [0, 1, 1, 1], [], []>, transpose_lhs_hint = false} : vector<64x4096xbf16>, vector<64x64xbf16>, vector<4096x64xf32> -> vector<4096x64xf32>
    %add3A = vector.broadcast %get3A_4 : vector<1x64xf32> to vector<4096x64xf32>
    %add3A_9 = arith.addf %dot_general3A_8, %add3A : vector<4096x64xf32>
    %tanh3A = math.tanh %add3A_9 : vector<4096x64xf32>
    %get3A_10 = arith.constant 0 : index
    %get3A_11 = arith.constant 0 : index
    %get3A_12 = vector.load %arg2[%get3A_10, %get3A_11] : memref<64x4096xf32, #tpu.memory_space<vmem>>, vector<64x4096xf32>
    %convert_element_type3A_13 = arith.truncf %get3A_12 : vector<64x4096xf32> to vector<64x4096xbf16>
    %dot_general3A_14 = arith.constant dense<0.000000e+00> : vector<4096x64xf32>
    %dot_general3A_15 = tpu.matmul %convert_element_type3A_13, %get3A_1, %dot_general3A_14 {dimension_numbers = #tpu.dot_dimension_numbers<[0], [0], [1], [1], [0, 1, 1, 1], [], []>, transpose_lhs_hint = false} : vector<64x4096xbf16>, vector<64x64xbf16>, vector<4096x64xf32> -> vector<4096x64xf32>
    %add3A_16 = vector.broadcast %get3A_4 : vector<1x64xf32> to vector<4096x64xf32>
    %add3A_17 = arith.addf %dot_general3A_15, %add3A_16 : vector<4096x64xf32>
    %tanh3A_18 = math.tanh %add3A_17 : vector<4096x64xf32>
    %get3A_19 = arith.constant 0 : index
    %get3A_20 = arith.constant 0 : index
    %get3A_21 = vector.load %arg3[%get3A_19, %get3A_20] : memref<64x4096xf32, #tpu.memory_space<vmem>>, vector<64x4096xf32>
    %convert_element_type3A_22 = arith.truncf %get3A_21 : vector<64x4096xf32> to vector<64x4096xbf16>
    %dot_general3A_23 = arith.constant dense<0.000000e+00> : vector<4096x64xf32>
    %dot_general3A_24 = tpu.matmul %convert_element_type3A_22, %get3A_1, %dot_general3A_23 {dimension_numbers = #tpu.dot_dimension_numbers<[0], [0], [1], [1], [0, 1, 1, 1], [], []>, transpose_lhs_hint = false} : vector<64x4096xbf16>, vector<64x64xbf16>, vector<4096x64xf32> -> vector<4096x64xf32>
    %add3A_25 = vector.broadcast %get3A_4 : vector<1x64xf32> to vector<4096x64xf32>
    %add3A_26 = arith.addf %dot_general3A_24, %add3A_25 : vector<4096x64xf32>
    %tanh3A_27 = math.tanh %add3A_26 : vector<4096x64xf32>
    %get3A_28 = arith.constant 0 : index
    %get3A_29 = arith.constant 0 : index
    %get3A_30 = vector.load %arg4[%get3A_28, %get3A_29] : memref<64x4096xf32, #tpu.memory_space<vmem>>, vector<64x4096xf32>
    %convert_element_type3A_31 = arith.truncf %get3A_30 : vector<64x4096xf32> to vector<64x4096xbf16>
    %dot_general3A_32 = arith.constant dense<0.000000e+00> : vector<4096x64xf32>
    %dot_general3A_33 = tpu.matmul %convert_element_type3A_31, %get3A_1, %dot_general3A_32 {dimension_numbers = #tpu.dot_dimension_numbers<[0], [0], [1], [1], [0, 1, 1, 1], [], []>, transpose_lhs_hint = false} : vector<64x4096xbf16>, vector<64x64xbf16>, vector<4096x64xf32> -> vector<4096x64xf32>
    %add3A_34 = vector.broadcast %get3A_4 : vector<1x64xf32> to vector<4096x64xf32>
    %add3A_35 = arith.addf %dot_general3A_33, %add3A_34 : vector<4096x64xf32>
    %tanh3A_36 = math.tanh %add3A_35 : vector<4096x64xf32>
    %concatenate3A = tpu.concatenate %tanh3A, %tanh3A_18 in 1 : vector<4096x64xf32>, vector<4096x64xf32> -> vector<4096x128xf32>
    %bitcast_convert_type3A = tpu.bitcast %concatenate3A : vector<4096x128xf32> -> vector<4096x128xi32>
    %concatenate3A_37 = tpu.concatenate %tanh3A_27, %tanh3A_36 in 1 : vector<4096x64xf32>, vector<4096x64xf32> -> vector<4096x128xf32>
    %bitcast_convert_type3A_38 = tpu.bitcast %concatenate3A_37 : vector<4096x128xf32> -> vector<4096x128xi32>
    %add3A_39 = arith.constant 32768 : i32
    %add3A_40 = vector.broadcast %add3A_39 : i32 to vector<4096x128xi32>
    %add3A_41 = arith.addi %bitcast_convert_type3A, %add3A_40 : vector<4096x128xi32>
    %shift_right_logical3A = arith.constant 16 : i32
    %shift_right_logical3A_42 = vector.broadcast %shift_right_logical3A : i32 to vector<4096x128xi32>
    %shift_right_logical3A_43 = arith.shrui %add3A_41, %shift_right_logical3A_42 : vector<4096x128xi32>
    %add3A_44 = arith.constant 32768 : i32
    %add3A_45 = vector.broadcast %add3A_44 : i32 to vector<4096x128xi32>
    %add3A_46 = arith.addi %bitcast_convert_type3A_38, %add3A_45 : vector<4096x128xi32>
    %and3A = arith.constant -65536 : i32
    %and3A_47 = vector.broadcast %and3A : i32 to vector<4096x128xi32>
    %and3A_48 = arith.andi %add3A_46, %and3A_47 : vector<4096x128xi32>
    %or3A = arith.ori %shift_right_logical3A_43, %and3A_48 : vector<4096x128xi32>
    %bitcast_convert_type3A_49 = tpu.bitcast %or3A : vector<4096x128xi32> -> vector<4096x128xi32>
    %swap3A = arith.constant 0 : index
    %swap3A_50 = arith.constant 0 : index
    %swap3A_51 = vector.load %arg7[%swap3A, %swap3A_50] : memref<4096x128xi32, #tpu.memory_space<vmem>>, vector<4096x128xi32>
    tpu.vector_store %arg7[%swap3A, %swap3A_50], %bitcast_convert_type3A_49 {strides = array<i32>} : memref<4096x128xi32, #tpu.memory_space<vmem>>, vector<4096x128xi32>,
    return
  }
  func.func @transform_0(%arg0: i32) -> (i32, i32) {
    %mul3A = arith.constant 4 : i32
    %mul3A_0 = arith.muli %mul3A, %arg0 : i32
    %add3A = arith.constant 0 : i32
    %add3A_1 = arith.addi %mul3A_0, %add3A : i32
    %min3A = arith.constant 244 : i32
    %min3A_2 = arith.minsi %add3A_1, %min3A : i32
    %c0_i32 = arith.constant 0 : i32
    %c0_i32_3 = arith.constant 0 : i32
    return %c0_i32, %min3A_2 : i32, i32
  }
  func.func @transform_1(%arg0: i32) -> (i32, i32) {
    %mul3A = arith.constant 4 : i32
    %mul3A_0 = arith.muli %mul3A, %arg0 : i32
    %add3A = arith.constant 1 : i32
    %add3A_1 = arith.addi %mul3A_0, %add3A : i32
    %min3A = arith.constant 244 : i32
    %min3A_2 = arith.minsi %add3A_1, %min3A : i32
    %c0_i32 = arith.constant 0 : i32
    %c0_i32_3 = arith.constant 0 : i32
    return %c0_i32, %min3A_2 : i32, i32
  }
  func.func @transform_2(%arg0: i32) -> (i32, i32) {
    %mul3A = arith.constant 4 : i32
    %mul3A_0 = arith.muli %mul3A, %arg0 : i32
    %add3A = arith.constant 2 : i32
    %add3A_1 = arith.addi %mul3A_0, %add3A : i32
    %min3A = arith.constant 244 : i32
    %min3A_2 = arith.minsi %add3A_1, %min3A : i32
    %c0_i32 = arith.constant 0 : i32
    %c0_i32_3 = arith.constant 0 : i32
    return %c0_i32, %min3A_2 : i32, i32
  }
  func.func @transform_3(%arg0: i32) -> (i32, i32) {
    %mul3A = arith.constant 4 : i32
    %mul3A_0 = arith.muli %mul3A, %arg0 : i32
    %add3A = arith.constant 3 : i32
    %add3A_1 = arith.addi %mul3A_0, %add3A : i32
    %min3A = arith.constant 244 : i32
    %min3A_2 = arith.minsi %add3A_1, %min3A : i32
    %c0_i32 = arith.constant 0 : i32
    %c0_i32_3 = arith.constant 0 : i32
    return %c0_i32, %min3A_2 : i32, i32
  }
  func.func @transform_4(%arg0: i32) -> (i32, i32) {
    %c0_i32 = arith.constant 0 : i32
    %c0_i32_0 = arith.constant 0 : i32
    %c0_i32_1 = arith.constant 0 : i32
    return %c0_i32, %c0_i32_0 : i32, i32
  }
  func.func @transform_5(%arg0: i32) -> (i32, i32) {
    %c0_i32 = arith.constant 0 : i32
    %c0_i32_0 = arith.constant 0 : i32
    %c0_i32_1 = arith.constant 0 : i32
    return %c0_i32, %c0_i32_0 : i32, i32
  }
  func.func @transform_6(%arg0: i32) -> (i32, i32) {
    %c0_i32 = arith.constant 0 : i32
    %c0_i32_0 = arith.constant 0 : i32
    return %arg0, %c0_i32 : i32, i32
  }
}

module attributes {stable_mosaic.version = 14 : i64} {
  func.func @_mlp_body(%arg0: i32, %arg1: memref<30x512x128xi32, #tpu.memory_space<vmem>>, %arg2: memref<512x30xi32, #tpu.memory_space<vmem>>, %arg3: memref<30x128x128xbf16, #tpu.memory_space<vmem>>, %arg4: memref<1x128xf32, #tpu.memory_space<vmem>>, %arg5: memref<128x64xbf16, #tpu.memory_space<vmem>>, %arg6: memref<1x64xf32, #tpu.memory_space<vmem>>, %arg7: memref<64x128xbf16, #tpu.memory_space<vmem>>, %arg8: memref<1x128xf32, #tpu.memory_space<vmem>>, %arg9: memref<512x128xf32, #tpu.memory_space<vmem>>) attributes {dimension_semantics = [#tpu.dimension_semantics<arbitrary>], iteration_bounds = array<i64: 32>, scalar_prefetch = 0 : i64, scratch_operands = 0 : i64, tpu.core_type = #tpu.core_type<tc>, window_params = [{transform_indices = @transform_0, window_bounds = array<i64: 30, 512, 128>}, {transform_indices = @transform_1, window_bounds = array<i64: 512, 30>}, {pipeline_mode = #tpu.pipeline_mode<synchronous>, transform_indices = @transform_2, window_bounds = array<i64: 30, 128, 128>}, {pipeline_mode = #tpu.pipeline_mode<synchronous>, transform_indices = @transform_3, window_bounds = array<i64: 1, 128>}, {pipeline_mode = #tpu.pipeline_mode<synchronous>, transform_indices = @transform_4, window_bounds = array<i64: 128, 64>}, {pipeline_mode = #tpu.pipeline_mode<synchronous>, transform_indices = @transform_5, window_bounds = array<i64: 1, 64>}, {pipeline_mode = #tpu.pipeline_mode<synchronous>, transform_indices = @transform_6, window_bounds = array<i64: 64, 128>}, {pipeline_mode = #tpu.pipeline_mode<synchronous>, transform_indices = @transform_7, window_bounds = array<i64: 1, 128>}, {transform_indices = @transform_8, window_bounds = array<i64: 512, 128>}]} {
    %iota3A = tpu.iota {dimensions = array<i32: 1>} : vector<512x128xi32>
    %jit3A = arith.constant 64 : i32
    %div3A = vector.broadcast %jit3A : i32 to vector<512x128xi32>
    %div3A_0 = arith.divsi %iota3A, %div3A : vector<512x128xi32>
    %sign3A = arith.constant 0 : i32
    %sign3A_1 = vector.broadcast %sign3A : i32 to vector<512x128xi32>
    %sign3A_2 = arith.cmpi sgt, %iota3A, %sign3A_1 : vector<512x128xi32>
    %sign3A_3 = arith.extui %sign3A_2 : vector<512x128xi1> to vector<512x128xi32>
    %sign3A_4 = arith.constant 0 : i32
    %sign3A_5 = vector.broadcast %sign3A_4 : i32 to vector<512x128xi32>
    %sign3A_6 = arith.cmpi slt, %iota3A, %sign3A_5 : vector<512x128xi32>
    %sign3A_7 = arith.extui %sign3A_6 : vector<512x128xi1> to vector<512x128xi32>
    %sign3A_8 = arith.subi %sign3A_3, %sign3A_7 : vector<512x128xi32>
    %sign3A_9 = arith.constant 0 : i32
    %sign3A_10 = arith.cmpi sgt, %jit3A, %sign3A_9 : i32
    %sign3A_11 = arith.extui %sign3A_10 : i1 to i32
    %sign3A_12 = arith.constant 0 : i32
    %sign3A_13 = arith.cmpi slt, %jit3A, %sign3A_12 : i32
    %sign3A_14 = arith.extui %sign3A_13 : i1 to i32
    %sign3A_15 = arith.subi %sign3A_11, %sign3A_14 : i32
    %ne3A = vector.broadcast %sign3A_15 : i32 to vector<512x128xi32>
    %ne3A_16 = arith.cmpi ne, %sign3A_8, %ne3A : vector<512x128xi32>
    %rem3A = vector.broadcast %jit3A : i32 to vector<512x128xi32>
    %rem3A_17 = arith.remsi %iota3A, %rem3A : vector<512x128xi32>
    %ne3A_18 = arith.constant 0 : i32
    %ne3A_19 = vector.broadcast %ne3A_18 : i32 to vector<512x128xi32>
    %ne3A_20 = arith.cmpi ne, %rem3A_17, %ne3A_19 : vector<512x128xi32>
    %and3A = arith.andi %ne3A_16, %ne3A_20 : vector<512x128xi1>
    %sub3A = arith.constant 1 : i32
    %sub3A_21 = vector.broadcast %sub3A : i32 to vector<512x128xi32>
    %sub3A_22 = arith.subi %div3A_0, %sub3A_21 : vector<512x128xi32>
    %select_n3A = arith.select %and3A, %sub3A_22, %div3A_0 : vector<512x128xi1>, vector<512x128xi32>
    %broadcast_in_dim3A = arith.constant 0.000000e+00 : f32
    %broadcast_in_dim3A_23 = vector.broadcast %broadcast_in_dim3A : f32 to vector<512x128xf32>
    %get3A = arith.constant 0 : index
    %get3A_24 = arith.constant 0 : index
    %get3A_25 = arith.constant 0 : index
    %get3A_26 = vector.load %arg1[%get3A, %get3A_24, %get3A_25] : memref<30x512x128xi32, #tpu.memory_space<vmem>>, vector<1x512x128xi32>
    %get3A_27 = vector.shape_cast %get3A_26 : vector<1x512x128xi32> to vector<512x128xi32>
    %get3A_28 = arith.constant 0 : index
    %get3A_29 = arith.constant 0 : index
    %get3A_30 = vector.load %arg2[%get3A_28, %get3A_29] : memref<512x30xi32, #tpu.memory_space<vmem>>, vector<512x1xi32>
    %shift_left3A = arith.constant 16 : i32
    %shift_left3A_31 = vector.broadcast %shift_left3A : i32 to vector<512x128xi32>
    %shift_left3A_32 = arith.shli %get3A_27, %shift_left3A_31 : vector<512x128xi32>
    %bitcast_convert_type3A = tpu.bitcast %shift_left3A_32 : vector<512x128xi32> -> vector<512x128xf32>
    %and3A_33 = arith.constant -65536 : i32
    %and3A_34 = vector.broadcast %and3A_33 : i32 to vector<512x128xi32>
    %and3A_35 = arith.andi %get3A_27, %and3A_34 : vector<512x128xi32>
    %bitcast_convert_type3A_36 = tpu.bitcast %and3A_35 : vector<512x128xi32> -> vector<512x128xf32>
    %ge3A = arith.constant 2 : i32
    %ge3A_37 = vector.broadcast %ge3A : i32 to vector<512x1xi32>
    %ge3A_38 = arith.cmpi sge, %get3A_30, %ge3A_37 : vector<512x1xi32>
    %broadcast_in_dim3A_39 = vector.shape_cast %ge3A_38 : vector<512x1xi1> to vector<512x1xi1>
    %broadcast_in_dim3A_40 = vector.broadcast %broadcast_in_dim3A_39 : vector<512x1xi1> to vector<512x128xi1>
    %select_n3A_41 = arith.select %broadcast_in_dim3A_40, %bitcast_convert_type3A_36, %bitcast_convert_type3A : vector<512x128xi1>, vector<512x128xf32>
    %and3A_42 = arith.constant 1 : i32
    %and3A_43 = vector.broadcast %and3A_42 : i32 to vector<512x1xi32>
    %and3A_44 = arith.andi %get3A_30, %and3A_43 : vector<512x1xi32>
    %eq3A = vector.broadcast %and3A_44 : vector<512x1xi32> to vector<512x128xi32>
    %eq3A_45 = arith.cmpi eq, %select_n3A, %eq3A : vector<512x128xi32>
    %jit3A_46 = arith.constant 0.000000e+00 : f32
    %broadcast_in_dim3A_47 = vector.broadcast %jit3A_46 : f32 to vector<512x128xf32>
    %select_n3A_48 = arith.select %eq3A_45, %select_n3A_41, %broadcast_in_dim3A_47 : vector<512x128xi1>, vector<512x128xf32>
    %convert_element_type3A = arith.truncf %select_n3A_48 : vector<512x128xf32> to vector<512x128xbf16>
    %get3A_49 = arith.constant 0 : index
    %get3A_50 = arith.constant 0 : index
    %get3A_51 = arith.constant 0 : index
    %get3A_52 = vector.load %arg3[%get3A_49, %get3A_50, %get3A_51] : memref<30x128x128xbf16, #tpu.memory_space<vmem>>, vector<1x128x128xbf16>
    %get3A_53 = vector.shape_cast %get3A_52 : vector<1x128x128xbf16> to vector<128x128xbf16>
    %dot_general3A = arith.constant dense<0.000000e+00> : vector<512x128xf32>
    %dot_general3A_54 = tpu.matmul %convert_element_type3A, %get3A_53, %dot_general3A {dimension_numbers = #tpu.dot_dimension_numbers<[1], [0], [0], [1], [0, 0, 1, 1], [], []>, transpose_lhs_hint = false} : vector<512x128xbf16>, vector<128x128xbf16>, vector<512x128xf32> -> vector<512x128xf32>
    %add3A = arith.addf %broadcast_in_dim3A_23, %dot_general3A_54 : vector<512x128xf32>
    %get3A_55 = arith.constant 1 : index
    %get3A_56 = arith.constant 0 : index
    %get3A_57 = arith.constant 0 : index
    %get3A_58 = vector.load %arg1[%get3A_55, %get3A_56, %get3A_57] : memref<30x512x128xi32, #tpu.memory_space<vmem>>, vector<1x512x128xi32>
    %get3A_59 = vector.shape_cast %get3A_58 : vector<1x512x128xi32> to vector<512x128xi32>
    %get3A_60 = arith.constant 0 : index
    %get3A_61 = arith.constant 1 : index
    %get3A_62 = vector.load %arg2[%get3A_60, %get3A_61] : memref<512x30xi32, #tpu.memory_space<vmem>>, vector<512x1xi32>
    %shift_left3A_63 = arith.constant 16 : i32
    %shift_left3A_64 = vector.broadcast %shift_left3A_63 : i32 to vector<512x128xi32>
    %shift_left3A_65 = arith.shli %get3A_59, %shift_left3A_64 : vector<512x128xi32>
    %bitcast_convert_type3A_66 = tpu.bitcast %shift_left3A_65 : vector<512x128xi32> -> vector<512x128xf32>
    %and3A_67 = arith.constant -65536 : i32
    %and3A_68 = vector.broadcast %and3A_67 : i32 to vector<512x128xi32>
    %and3A_69 = arith.andi %get3A_59, %and3A_68 : vector<512x128xi32>
    %bitcast_convert_type3A_70 = tpu.bitcast %and3A_69 : vector<512x128xi32> -> vector<512x128xf32>
    %ge3A_71 = arith.constant 2 : i32
    %ge3A_72 = vector.broadcast %ge3A_71 : i32 to vector<512x1xi32>
    %ge3A_73 = arith.cmpi sge, %get3A_62, %ge3A_72 : vector<512x1xi32>
    %broadcast_in_dim3A_74 = vector.shape_cast %ge3A_73 : vector<512x1xi1> to vector<512x1xi1>
    %broadcast_in_dim3A_75 = vector.broadcast %broadcast_in_dim3A_74 : vector<512x1xi1> to vector<512x128xi1>
    %select_n3A_76 = arith.select %broadcast_in_dim3A_75, %bitcast_convert_type3A_70, %bitcast_convert_type3A_66 : vector<512x128xi1>, vector<512x128xf32>
    %and3A_77 = arith.constant 1 : i32
    %and3A_78 = vector.broadcast %and3A_77 : i32 to vector<512x1xi32>
    %and3A_79 = arith.andi %get3A_62, %and3A_78 : vector<512x1xi32>
    %eq3A_80 = vector.broadcast %and3A_79 : vector<512x1xi32> to vector<512x128xi32>
    %eq3A_81 = arith.cmpi eq, %select_n3A, %eq3A_80 : vector<512x128xi32>
    %jit3A_82 = arith.constant 0.000000e+00 : f32
    %broadcast_in_dim3A_83 = vector.broadcast %jit3A_82 : f32 to vector<512x128xf32>
    %select_n3A_84 = arith.select %eq3A_81, %select_n3A_76, %broadcast_in_dim3A_83 : vector<512x128xi1>, vector<512x128xf32>
    %convert_element_type3A_85 = arith.truncf %select_n3A_84 : vector<512x128xf32> to vector<512x128xbf16>
    %get3A_86 = arith.constant 1 : index
    %get3A_87 = arith.constant 0 : index
    %get3A_88 = arith.constant 0 : index
    %get3A_89 = vector.load %arg3[%get3A_86, %get3A_87, %get3A_88] : memref<30x128x128xbf16, #tpu.memory_space<vmem>>, vector<1x128x128xbf16>
    %get3A_90 = vector.shape_cast %get3A_89 : vector<1x128x128xbf16> to vector<128x128xbf16>
    %dot_general3A_91 = arith.constant dense<0.000000e+00> : vector<512x128xf32>
    %dot_general3A_92 = tpu.matmul %convert_element_type3A_85, %get3A_90, %dot_general3A_91 {dimension_numbers = #tpu.dot_dimension_numbers<[1], [0], [0], [1], [0, 0, 1, 1], [], []>, transpose_lhs_hint = false} : vector<512x128xbf16>, vector<128x128xbf16>, vector<512x128xf32> -> vector<512x128xf32>
    %add3A_93 = arith.addf %add3A, %dot_general3A_92 : vector<512x128xf32>
    %get3A_94 = arith.constant 2 : index
    %get3A_95 = arith.constant 0 : index
    %get3A_96 = arith.constant 0 : index
    %get3A_97 = vector.load %arg1[%get3A_94, %get3A_95, %get3A_96] : memref<30x512x128xi32, #tpu.memory_space<vmem>>, vector<1x512x128xi32>
    %get3A_98 = vector.shape_cast %get3A_97 : vector<1x512x128xi32> to vector<512x128xi32>
    %get3A_99 = arith.constant 0 : index
    %get3A_100 = arith.constant 2 : index
    %get3A_101 = vector.load %arg2[%get3A_99, %get3A_100] : memref<512x30xi32, #tpu.memory_space<vmem>>, vector<512x1xi32>
    %shift_left3A_102 = arith.constant 16 : i32
    %shift_left3A_103 = vector.broadcast %shift_left3A_102 : i32 to vector<512x128xi32>
    %shift_left3A_104 = arith.shli %get3A_98, %shift_left3A_103 : vector<512x128xi32>
    %bitcast_convert_type3A_105 = tpu.bitcast %shift_left3A_104 : vector<512x128xi32> -> vector<512x128xf32>
    %and3A_106 = arith.constant -65536 : i32
    %and3A_107 = vector.broadcast %and3A_106 : i32 to vector<512x128xi32>
    %and3A_108 = arith.andi %get3A_98, %and3A_107 : vector<512x128xi32>
    %bitcast_convert_type3A_109 = tpu.bitcast %and3A_108 : vector<512x128xi32> -> vector<512x128xf32>
    %ge3A_110 = arith.constant 2 : i32
    %ge3A_111 = vector.broadcast %ge3A_110 : i32 to vector<512x1xi32>
    %ge3A_112 = arith.cmpi sge, %get3A_101, %ge3A_111 : vector<512x1xi32>
    %broadcast_in_dim3A_113 = vector.shape_cast %ge3A_112 : vector<512x1xi1> to vector<512x1xi1>
    %broadcast_in_dim3A_114 = vector.broadcast %broadcast_in_dim3A_113 : vector<512x1xi1> to vector<512x128xi1>
    %select_n3A_115 = arith.select %broadcast_in_dim3A_114, %bitcast_convert_type3A_109, %bitcast_convert_type3A_105 : vector<512x128xi1>, vector<512x128xf32>
    %and3A_116 = arith.constant 1 : i32
    %and3A_117 = vector.broadcast %and3A_116 : i32 to vector<512x1xi32>
    %and3A_118 = arith.andi %get3A_101, %and3A_117 : vector<512x1xi32>
    %eq3A_119 = vector.broadcast %and3A_118 : vector<512x1xi32> to vector<512x128xi32>
    %eq3A_120 = arith.cmpi eq, %select_n3A, %eq3A_119 : vector<512x128xi32>
    %jit3A_121 = arith.constant 0.000000e+00 : f32
    %broadcast_in_dim3A_122 = vector.broadcast %jit3A_121 : f32 to vector<512x128xf32>
    %select_n3A_123 = arith.select %eq3A_120, %select_n3A_115, %broadcast_in_dim3A_122 : vector<512x128xi1>, vector<512x128xf32>
    %convert_element_type3A_124 = arith.truncf %select_n3A_123 : vector<512x128xf32> to vector<512x128xbf16>
    %get3A_125 = arith.constant 2 : index
    %get3A_126 = arith.constant 0 : index
    %get3A_127 = arith.constant 0 : index
    %get3A_128 = vector.load %arg3[%get3A_125, %get3A_126, %get3A_127] : memref<30x128x128xbf16, #tpu.memory_space<vmem>>, vector<1x128x128xbf16>
    %get3A_129 = vector.shape_cast %get3A_128 : vector<1x128x128xbf16> to vector<128x128xbf16>
    %dot_general3A_130 = arith.constant dense<0.000000e+00> : vector<512x128xf32>
    %dot_general3A_131 = tpu.matmul %convert_element_type3A_124, %get3A_129, %dot_general3A_130 {dimension_numbers = #tpu.dot_dimension_numbers<[1], [0], [0], [1], [0, 0, 1, 1], [], []>, transpose_lhs_hint = false} : vector<512x128xbf16>, vector<128x128xbf16>, vector<512x128xf32> -> vector<512x128xf32>
    %add3A_132 = arith.addf %add3A_93, %dot_general3A_131 : vector<512x128xf32>
    %get3A_133 = arith.constant 3 : index
    %get3A_134 = arith.constant 0 : index
    %get3A_135 = arith.constant 0 : index
    %get3A_136 = vector.load %arg1[%get3A_133, %get3A_134, %get3A_135] : memref<30x512x128xi32, #tpu.memory_space<vmem>>, vector<1x512x128xi32>
    %get3A_137 = vector.shape_cast %get3A_136 : vector<1x512x128xi32> to vector<512x128xi32>
    %get3A_138 = arith.constant 0 : index
    %get3A_139 = arith.constant 3 : index
    %get3A_140 = vector.load %arg2[%get3A_138, %get3A_139] : memref<512x30xi32, #tpu.memory_space<vmem>>, vector<512x1xi32>
    %shift_left3A_141 = arith.constant 16 : i32
    %shift_left3A_142 = vector.broadcast %shift_left3A_141 : i32 to vector<512x128xi32>
    %shift_left3A_143 = arith.shli %get3A_137, %shift_left3A_142 : vector<512x128xi32>
    %bitcast_convert_type3A_144 = tpu.bitcast %shift_left3A_143 : vector<512x128xi32> -> vector<512x128xf32>
    %and3A_145 = arith.constant -65536 : i32
    %and3A_146 = vector.broadcast %and3A_145 : i32 to vector<512x128xi32>
    %and3A_147 = arith.andi %get3A_137, %and3A_146 : vector<512x128xi32>
    %bitcast_convert_type3A_148 = tpu.bitcast %and3A_147 : vector<512x128xi32> -> vector<512x128xf32>
    %ge3A_149 = arith.constant 2 : i32
    %ge3A_150 = vector.broadcast %ge3A_149 : i32 to vector<512x1xi32>
    %ge3A_151 = arith.cmpi sge, %get3A_140, %ge3A_150 : vector<512x1xi32>
    %broadcast_in_dim3A_152 = vector.shape_cast %ge3A_151 : vector<512x1xi1> to vector<512x1xi1>
    %broadcast_in_dim3A_153 = vector.broadcast %broadcast_in_dim3A_152 : vector<512x1xi1> to vector<512x128xi1>
    %select_n3A_154 = arith.select %broadcast_in_dim3A_153, %bitcast_convert_type3A_148, %bitcast_convert_type3A_144 : vector<512x128xi1>, vector<512x128xf32>
    %and3A_155 = arith.constant 1 : i32
    %and3A_156 = vector.broadcast %and3A_155 : i32 to vector<512x1xi32>
    %and3A_157 = arith.andi %get3A_140, %and3A_156 : vector<512x1xi32>
    %eq3A_158 = vector.broadcast %and3A_157 : vector<512x1xi32> to vector<512x128xi32>
    %eq3A_159 = arith.cmpi eq, %select_n3A, %eq3A_158 : vector<512x128xi32>
    %jit3A_160 = arith.constant 0.000000e+00 : f32
    %broadcast_in_dim3A_161 = vector.broadcast %jit3A_160 : f32 to vector<512x128xf32>
    %select_n3A_162 = arith.select %eq3A_159, %select_n3A_154, %broadcast_in_dim3A_161 : vector<512x128xi1>, vector<512x128xf32>
    %convert_element_type3A_163 = arith.truncf %select_n3A_162 : vector<512x128xf32> to vector<512x128xbf16>
    %get3A_164 = arith.constant 3 : index
    %get3A_165 = arith.constant 0 : index
    %get3A_166 = arith.constant 0 : index
    %get3A_167 = vector.load %arg3[%get3A_164, %get3A_165, %get3A_166] : memref<30x128x128xbf16, #tpu.memory_space<vmem>>, vector<1x128x128xbf16>
    %get3A_168 = vector.shape_cast %get3A_167 : vector<1x128x128xbf16> to vector<128x128xbf16>
    %dot_general3A_169 = arith.constant dense<0.000000e+00> : vector<512x128xf32>
    %dot_general3A_170 = tpu.matmul %convert_element_type3A_163, %get3A_168, %dot_general3A_169 {dimension_numbers = #tpu.dot_dimension_numbers<[1], [0], [0], [1], [0, 0, 1, 1], [], []>, transpose_lhs_hint = false} : vector<512x128xbf16>, vector<128x128xbf16>, vector<512x128xf32> -> vector<512x128xf32>
    %add3A_171 = arith.addf %add3A_132, %dot_general3A_170 : vector<512x128xf32>
    %get3A_172 = arith.constant 4 : index
    %get3A_173 = arith.constant 0 : index
    %get3A_174 = arith.constant 0 : index
    %get3A_175 = vector.load %arg1[%get3A_172, %get3A_173, %get3A_174] : memref<30x512x128xi32, #tpu.memory_space<vmem>>, vector<1x512x128xi32>
    %get3A_176 = vector.shape_cast %get3A_175 : vector<1x512x128xi32> to vector<512x128xi32>
    %get3A_177 = arith.constant 0 : index
    %get3A_178 = arith.constant 4 : index
    %get3A_179 = vector.load %arg2[%get3A_177, %get3A_178] : memref<512x30xi32, #tpu.memory_space<vmem>>, vector<512x1xi32>
    %shift_left3A_180 = arith.constant 16 : i32
    %shift_left3A_181 = vector.broadcast %shift_left3A_180 : i32 to vector<512x128xi32>
    %shift_left3A_182 = arith.shli %get3A_176, %shift_left3A_181 : vector<512x128xi32>
    %bitcast_convert_type3A_183 = tpu.bitcast %shift_left3A_182 : vector<512x128xi32> -> vector<512x128xf32>
    %and3A_184 = arith.constant -65536 : i32
    %and3A_185 = vector.broadcast %and3A_184 : i32 to vector<512x128xi32>
    %and3A_186 = arith.andi %get3A_176, %and3A_185 : vector<512x128xi32>
    %bitcast_convert_type3A_187 = tpu.bitcast %and3A_186 : vector<512x128xi32> -> vector<512x128xf32>
    %ge3A_188 = arith.constant 2 : i32
    %ge3A_189 = vector.broadcast %ge3A_188 : i32 to vector<512x1xi32>
    %ge3A_190 = arith.cmpi sge, %get3A_179, %ge3A_189 : vector<512x1xi32>
    %broadcast_in_dim3A_191 = vector.shape_cast %ge3A_190 : vector<512x1xi1> to vector<512x1xi1>
    %broadcast_in_dim3A_192 = vector.broadcast %broadcast_in_dim3A_191 : vector<512x1xi1> to vector<512x128xi1>
    %select_n3A_193 = arith.select %broadcast_in_dim3A_192, %bitcast_convert_type3A_187, %bitcast_convert_type3A_183 : vector<512x128xi1>, vector<512x128xf32>
    %and3A_194 = arith.constant 1 : i32
    %and3A_195 = vector.broadcast %and3A_194 : i32 to vector<512x1xi32>
    %and3A_196 = arith.andi %get3A_179, %and3A_195 : vector<512x1xi32>
    %eq3A_197 = vector.broadcast %and3A_196 : vector<512x1xi32> to vector<512x128xi32>
    %eq3A_198 = arith.cmpi eq, %select_n3A, %eq3A_197 : vector<512x128xi32>
    %jit3A_199 = arith.constant 0.000000e+00 : f32
    %broadcast_in_dim3A_200 = vector.broadcast %jit3A_199 : f32 to vector<512x128xf32>
    %select_n3A_201 = arith.select %eq3A_198, %select_n3A_193, %broadcast_in_dim3A_200 : vector<512x128xi1>, vector<512x128xf32>
    %convert_element_type3A_202 = arith.truncf %select_n3A_201 : vector<512x128xf32> to vector<512x128xbf16>
    %get3A_203 = arith.constant 4 : index
    %get3A_204 = arith.constant 0 : index
    %get3A_205 = arith.constant 0 : index
    %get3A_206 = vector.load %arg3[%get3A_203, %get3A_204, %get3A_205] : memref<30x128x128xbf16, #tpu.memory_space<vmem>>, vector<1x128x128xbf16>
    %get3A_207 = vector.shape_cast %get3A_206 : vector<1x128x128xbf16> to vector<128x128xbf16>
    %dot_general3A_208 = arith.constant dense<0.000000e+00> : vector<512x128xf32>
    %dot_general3A_209 = tpu.matmul %convert_element_type3A_202, %get3A_207, %dot_general3A_208 {dimension_numbers = #tpu.dot_dimension_numbers<[1], [0], [0], [1], [0, 0, 1, 1], [], []>, transpose_lhs_hint = false} : vector<512x128xbf16>, vector<128x128xbf16>, vector<512x128xf32> -> vector<512x128xf32>
    %add3A_210 = arith.addf %add3A_171, %dot_general3A_209 : vector<512x128xf32>
    %get3A_211 = arith.constant 5 : index
    %get3A_212 = arith.constant 0 : index
    %get3A_213 = arith.constant 0 : index
    %get3A_214 = vector.load %arg1[%get3A_211, %get3A_212, %get3A_213] : memref<30x512x128xi32, #tpu.memory_space<vmem>>, vector<1x512x128xi32>
    %get3A_215 = vector.shape_cast %get3A_214 : vector<1x512x128xi32> to vector<512x128xi32>
    %get3A_216 = arith.constant 0 : index
    %get3A_217 = arith.constant 5 : index
    %get3A_218 = vector.load %arg2[%get3A_216, %get3A_217] : memref<512x30xi32, #tpu.memory_space<vmem>>, vector<512x1xi32>
    %shift_left3A_219 = arith.constant 16 : i32
    %shift_left3A_220 = vector.broadcast %shift_left3A_219 : i32 to vector<512x128xi32>
    %shift_left3A_221 = arith.shli %get3A_215, %shift_left3A_220 : vector<512x128xi32>
    %bitcast_convert_type3A_222 = tpu.bitcast %shift_left3A_221 : vector<512x128xi32> -> vector<512x128xf32>
    %and3A_223 = arith.constant -65536 : i32
    %and3A_224 = vector.broadcast %and3A_223 : i32 to vector<512x128xi32>
    %and3A_225 = arith.andi %get3A_215, %and3A_224 : vector<512x128xi32>
    %bitcast_convert_type3A_226 = tpu.bitcast %and3A_225 : vector<512x128xi32> -> vector<512x128xf32>
    %ge3A_227 = arith.constant 2 : i32
    %ge3A_228 = vector.broadcast %ge3A_227 : i32 to vector<512x1xi32>
    %ge3A_229 = arith.cmpi sge, %get3A_218, %ge3A_228 : vector<512x1xi32>
    %broadcast_in_dim3A_230 = vector.shape_cast %ge3A_229 : vector<512x1xi1> to vector<512x1xi1>
    %broadcast_in_dim3A_231 = vector.broadcast %broadcast_in_dim3A_230 : vector<512x1xi1> to vector<512x128xi1>
    %select_n3A_232 = arith.select %broadcast_in_dim3A_231, %bitcast_convert_type3A_226, %bitcast_convert_type3A_222 : vector<512x128xi1>, vector<512x128xf32>
    %and3A_233 = arith.constant 1 : i32
    %and3A_234 = vector.broadcast %and3A_233 : i32 to vector<512x1xi32>
    %and3A_235 = arith.andi %get3A_218, %and3A_234 : vector<512x1xi32>
    %eq3A_236 = vector.broadcast %and3A_235 : vector<512x1xi32> to vector<512x128xi32>
    %eq3A_237 = arith.cmpi eq, %select_n3A, %eq3A_236 : vector<512x128xi32>
    %jit3A_238 = arith.constant 0.000000e+00 : f32
    %broadcast_in_dim3A_239 = vector.broadcast %jit3A_238 : f32 to vector<512x128xf32>
    %select_n3A_240 = arith.select %eq3A_237, %select_n3A_232, %broadcast_in_dim3A_239 : vector<512x128xi1>, vector<512x128xf32>
    %convert_element_type3A_241 = arith.truncf %select_n3A_240 : vector<512x128xf32> to vector<512x128xbf16>
    %get3A_242 = arith.constant 5 : index
    %get3A_243 = arith.constant 0 : index
    %get3A_244 = arith.constant 0 : index
    %get3A_245 = vector.load %arg3[%get3A_242, %get3A_243, %get3A_244] : memref<30x128x128xbf16, #tpu.memory_space<vmem>>, vector<1x128x128xbf16>
    %get3A_246 = vector.shape_cast %get3A_245 : vector<1x128x128xbf16> to vector<128x128xbf16>
    %dot_general3A_247 = arith.constant dense<0.000000e+00> : vector<512x128xf32>
    %dot_general3A_248 = tpu.matmul %convert_element_type3A_241, %get3A_246, %dot_general3A_247 {dimension_numbers = #tpu.dot_dimension_numbers<[1], [0], [0], [1], [0, 0, 1, 1], [], []>, transpose_lhs_hint = false} : vector<512x128xbf16>, vector<128x128xbf16>, vector<512x128xf32> -> vector<512x128xf32>
    %add3A_249 = arith.addf %add3A_210, %dot_general3A_248 : vector<512x128xf32>
    %get3A_250 = arith.constant 6 : index
    %get3A_251 = arith.constant 0 : index
    %get3A_252 = arith.constant 0 : index
    %get3A_253 = vector.load %arg1[%get3A_250, %get3A_251, %get3A_252] : memref<30x512x128xi32, #tpu.memory_space<vmem>>, vector<1x512x128xi32>
    %get3A_254 = vector.shape_cast %get3A_253 : vector<1x512x128xi32> to vector<512x128xi32>
    %get3A_255 = arith.constant 0 : index
    %get3A_256 = arith.constant 6 : index
    %get3A_257 = vector.load %arg2[%get3A_255, %get3A_256] : memref<512x30xi32, #tpu.memory_space<vmem>>, vector<512x1xi32>
    %shift_left3A_258 = arith.constant 16 : i32
    %shift_left3A_259 = vector.broadcast %shift_left3A_258 : i32 to vector<512x128xi32>
    %shift_left3A_260 = arith.shli %get3A_254, %shift_left3A_259 : vector<512x128xi32>
    %bitcast_convert_type3A_261 = tpu.bitcast %shift_left3A_260 : vector<512x128xi32> -> vector<512x128xf32>
    %and3A_262 = arith.constant -65536 : i32
    %and3A_263 = vector.broadcast %and3A_262 : i32 to vector<512x128xi32>
    %and3A_264 = arith.andi %get3A_254, %and3A_263 : vector<512x128xi32>
    %bitcast_convert_type3A_265 = tpu.bitcast %and3A_264 : vector<512x128xi32> -> vector<512x128xf32>
    %ge3A_266 = arith.constant 2 : i32
    %ge3A_267 = vector.broadcast %ge3A_266 : i32 to vector<512x1xi32>
    %ge3A_268 = arith.cmpi sge, %get3A_257, %ge3A_267 : vector<512x1xi32>
    %broadcast_in_dim3A_269 = vector.shape_cast %ge3A_268 : vector<512x1xi1> to vector<512x1xi1>
    %broadcast_in_dim3A_270 = vector.broadcast %broadcast_in_dim3A_269 : vector<512x1xi1> to vector<512x128xi1>
    %select_n3A_271 = arith.select %broadcast_in_dim3A_270, %bitcast_convert_type3A_265, %bitcast_convert_type3A_261 : vector<512x128xi1>, vector<512x128xf32>
    %and3A_272 = arith.constant 1 : i32
    %and3A_273 = vector.broadcast %and3A_272 : i32 to vector<512x1xi32>
    %and3A_274 = arith.andi %get3A_257, %and3A_273 : vector<512x1xi32>
    %eq3A_275 = vector.broadcast %and3A_274 : vector<512x1xi32> to vector<512x128xi32>
    %eq3A_276 = arith.cmpi eq, %select_n3A, %eq3A_275 : vector<512x128xi32>
    %jit3A_277 = arith.constant 0.000000e+00 : f32
    %broadcast_in_dim3A_278 = vector.broadcast %jit3A_277 : f32 to vector<512x128xf32>
    %select_n3A_279 = arith.select %eq3A_276, %select_n3A_271, %broadcast_in_dim3A_278 : vector<512x128xi1>, vector<512x128xf32>
    %convert_element_type3A_280 = arith.truncf %select_n3A_279 : vector<512x128xf32> to vector<512x128xbf16>
    %get3A_281 = arith.constant 6 : index
    %get3A_282 = arith.constant 0 : index
    %get3A_283 = arith.constant 0 : index
    %get3A_284 = vector.load %arg3[%get3A_281, %get3A_282, %get3A_283] : memref<30x128x128xbf16, #tpu.memory_space<vmem>>, vector<1x128x128xbf16>
    %get3A_285 = vector.shape_cast %get3A_284 : vector<1x128x128xbf16> to vector<128x128xbf16>
    %dot_general3A_286 = arith.constant dense<0.000000e+00> : vector<512x128xf32>
    %dot_general3A_287 = tpu.matmul %convert_element_type3A_280, %get3A_285, %dot_general3A_286 {dimension_numbers = #tpu.dot_dimension_numbers<[1], [0], [0], [1], [0, 0, 1, 1], [], []>, transpose_lhs_hint = false} : vector<512x128xbf16>, vector<128x128xbf16>, vector<512x128xf32> -> vector<512x128xf32>
    %add3A_288 = arith.addf %add3A_249, %dot_general3A_287 : vector<512x128xf32>
    %get3A_289 = arith.constant 7 : index
    %get3A_290 = arith.constant 0 : index
    %get3A_291 = arith.constant 0 : index
    %get3A_292 = vector.load %arg1[%get3A_289, %get3A_290, %get3A_291] : memref<30x512x128xi32, #tpu.memory_space<vmem>>, vector<1x512x128xi32>
    %get3A_293 = vector.shape_cast %get3A_292 : vector<1x512x128xi32> to vector<512x128xi32>
    %get3A_294 = arith.constant 0 : index
    %get3A_295 = arith.constant 7 : index
    %get3A_296 = vector.load %arg2[%get3A_294, %get3A_295] : memref<512x30xi32, #tpu.memory_space<vmem>>, vector<512x1xi32>
    %shift_left3A_297 = arith.constant 16 : i32
    %shift_left3A_298 = vector.broadcast %shift_left3A_297 : i32 to vector<512x128xi32>
    %shift_left3A_299 = arith.shli %get3A_293, %shift_left3A_298 : vector<512x128xi32>
    %bitcast_convert_type3A_300 = tpu.bitcast %shift_left3A_299 : vector<512x128xi32> -> vector<512x128xf32>
    %and3A_301 = arith.constant -65536 : i32
    %and3A_302 = vector.broadcast %and3A_301 : i32 to vector<512x128xi32>
    %and3A_303 = arith.andi %get3A_293, %and3A_302 : vector<512x128xi32>
    %bitcast_convert_type3A_304 = tpu.bitcast %and3A_303 : vector<512x128xi32> -> vector<512x128xf32>
    %ge3A_305 = arith.constant 2 : i32
    %ge3A_306 = vector.broadcast %ge3A_305 : i32 to vector<512x1xi32>
    %ge3A_307 = arith.cmpi sge, %get3A_296, %ge3A_306 : vector<512x1xi32>
    %broadcast_in_dim3A_308 = vector.shape_cast %ge3A_307 : vector<512x1xi1> to vector<512x1xi1>
    %broadcast_in_dim3A_309 = vector.broadcast %broadcast_in_dim3A_308 : vector<512x1xi1> to vector<512x128xi1>
    %select_n3A_310 = arith.select %broadcast_in_dim3A_309, %bitcast_convert_type3A_304, %bitcast_convert_type3A_300 : vector<512x128xi1>, vector<512x128xf32>
    %and3A_311 = arith.constant 1 : i32
    %and3A_312 = vector.broadcast %and3A_311 : i32 to vector<512x1xi32>
    %and3A_313 = arith.andi %get3A_296, %and3A_312 : vector<512x1xi32>
    %eq3A_314 = vector.broadcast %and3A_313 : vector<512x1xi32> to vector<512x128xi32>
    %eq3A_315 = arith.cmpi eq, %select_n3A, %eq3A_314 : vector<512x128xi32>
    %jit3A_316 = arith.constant 0.000000e+00 : f32
    %broadcast_in_dim3A_317 = vector.broadcast %jit3A_316 : f32 to vector<512x128xf32>
    %select_n3A_318 = arith.select %eq3A_315, %select_n3A_310, %broadcast_in_dim3A_317 : vector<512x128xi1>, vector<512x128xf32>
    %convert_element_type3A_319 = arith.truncf %select_n3A_318 : vector<512x128xf32> to vector<512x128xbf16>
    %get3A_320 = arith.constant 7 : index
    %get3A_321 = arith.constant 0 : index
    %get3A_322 = arith.constant 0 : index
    %get3A_323 = vector.load %arg3[%get3A_320, %get3A_321, %get3A_322] : memref<30x128x128xbf16, #tpu.memory_space<vmem>>, vector<1x128x128xbf16>
    %get3A_324 = vector.shape_cast %get3A_323 : vector<1x128x128xbf16> to vector<128x128xbf16>
    %dot_general3A_325 = arith.constant dense<0.000000e+00> : vector<512x128xf32>
    %dot_general3A_326 = tpu.matmul %convert_element_type3A_319, %get3A_324, %dot_general3A_325 {dimension_numbers = #tpu.dot_dimension_numbers<[1], [0], [0], [1], [0, 0, 1, 1], [], []>, transpose_lhs_hint = false} : vector<512x128xbf16>, vector<128x128xbf16>, vector<512x128xf32> -> vector<512x128xf32>
    %add3A_327 = arith.addf %add3A_288, %dot_general3A_326 : vector<512x128xf32>
    %get3A_328 = arith.constant 8 : index
    %get3A_329 = arith.constant 0 : index
    %get3A_330 = arith.constant 0 : index
    %get3A_331 = vector.load %arg1[%get3A_328, %get3A_329, %get3A_330] : memref<30x512x128xi32, #tpu.memory_space<vmem>>, vector<1x512x128xi32>
    %get3A_332 = vector.shape_cast %get3A_331 : vector<1x512x128xi32> to vector<512x128xi32>
    %get3A_333 = arith.constant 0 : index
    %get3A_334 = arith.constant 8 : index
    %get3A_335 = vector.load %arg2[%get3A_333, %get3A_334] : memref<512x30xi32, #tpu.memory_space<vmem>>, vector<512x1xi32>
    %shift_left3A_336 = arith.constant 16 : i32
    %shift_left3A_337 = vector.broadcast %shift_left3A_336 : i32 to vector<512x128xi32>
    %shift_left3A_338 = arith.shli %get3A_332, %shift_left3A_337 : vector<512x128xi32>
    %bitcast_convert_type3A_339 = tpu.bitcast %shift_left3A_338 : vector<512x128xi32> -> vector<512x128xf32>
    %and3A_340 = arith.constant -65536 : i32
    %and3A_341 = vector.broadcast %and3A_340 : i32 to vector<512x128xi32>
    %and3A_342 = arith.andi %get3A_332, %and3A_341 : vector<512x128xi32>
    %bitcast_convert_type3A_343 = tpu.bitcast %and3A_342 : vector<512x128xi32> -> vector<512x128xf32>
    %ge3A_344 = arith.constant 2 : i32
    %ge3A_345 = vector.broadcast %ge3A_344 : i32 to vector<512x1xi32>
    %ge3A_346 = arith.cmpi sge, %get3A_335, %ge3A_345 : vector<512x1xi32>
    %broadcast_in_dim3A_347 = vector.shape_cast %ge3A_346 : vector<512x1xi1> to vector<512x1xi1>
    %broadcast_in_dim3A_348 = vector.broadcast %broadcast_in_dim3A_347 : vector<512x1xi1> to vector<512x128xi1>
    %select_n3A_349 = arith.select %broadcast_in_dim3A_348, %bitcast_convert_type3A_343, %bitcast_convert_type3A_339 : vector<512x128xi1>, vector<512x128xf32>
    %and3A_350 = arith.constant 1 : i32
    %and3A_351 = vector.broadcast %and3A_350 : i32 to vector<512x1xi32>
    %and3A_352 = arith.andi %get3A_335, %and3A_351 : vector<512x1xi32>
    %eq3A_353 = vector.broadcast %and3A_352 : vector<512x1xi32> to vector<512x128xi32>
    %eq3A_354 = arith.cmpi eq, %select_n3A, %eq3A_353 : vector<512x128xi32>
    %jit3A_355 = arith.constant 0.000000e+00 : f32
    %broadcast_in_dim3A_356 = vector.broadcast %jit3A_355 : f32 to vector<512x128xf32>
    %select_n3A_357 = arith.select %eq3A_354, %select_n3A_349, %broadcast_in_dim3A_356 : vector<512x128xi1>, vector<512x128xf32>
    %convert_element_type3A_358 = arith.truncf %select_n3A_357 : vector<512x128xf32> to vector<512x128xbf16>
    %get3A_359 = arith.constant 8 : index
    %get3A_360 = arith.constant 0 : index
    %get3A_361 = arith.constant 0 : index
    %get3A_362 = vector.load %arg3[%get3A_359, %get3A_360, %get3A_361] : memref<30x128x128xbf16, #tpu.memory_space<vmem>>, vector<1x128x128xbf16>
    %get3A_363 = vector.shape_cast %get3A_362 : vector<1x128x128xbf16> to vector<128x128xbf16>
    %dot_general3A_364 = arith.constant dense<0.000000e+00> : vector<512x128xf32>
    %dot_general3A_365 = tpu.matmul %convert_element_type3A_358, %get3A_363, %dot_general3A_364 {dimension_numbers = #tpu.dot_dimension_numbers<[1], [0], [0], [1], [0, 0, 1, 1], [], []>, transpose_lhs_hint = false} : vector<512x128xbf16>, vector<128x128xbf16>, vector<512x128xf32> -> vector<512x128xf32>
    %add3A_366 = arith.addf %add3A_327, %dot_general3A_365 : vector<512x128xf32>
    %get3A_367 = arith.constant 9 : index
    %get3A_368 = arith.constant 0 : index
    %get3A_369 = arith.constant 0 : index
    %get3A_370 = vector.load %arg1[%get3A_367, %get3A_368, %get3A_369] : memref<30x512x128xi32, #tpu.memory_space<vmem>>, vector<1x512x128xi32>
    %get3A_371 = vector.shape_cast %get3A_370 : vector<1x512x128xi32> to vector<512x128xi32>
    %get3A_372 = arith.constant 0 : index
    %get3A_373 = arith.constant 9 : index
    %get3A_374 = vector.load %arg2[%get3A_372, %get3A_373] : memref<512x30xi32, #tpu.memory_space<vmem>>, vector<512x1xi32>
    %shift_left3A_375 = arith.constant 16 : i32
    %shift_left3A_376 = vector.broadcast %shift_left3A_375 : i32 to vector<512x128xi32>
    %shift_left3A_377 = arith.shli %get3A_371, %shift_left3A_376 : vector<512x128xi32>
    %bitcast_convert_type3A_378 = tpu.bitcast %shift_left3A_377 : vector<512x128xi32> -> vector<512x128xf32>
    %and3A_379 = arith.constant -65536 : i32
    %and3A_380 = vector.broadcast %and3A_379 : i32 to vector<512x128xi32>
    %and3A_381 = arith.andi %get3A_371, %and3A_380 : vector<512x128xi32>
    %bitcast_convert_type3A_382 = tpu.bitcast %and3A_381 : vector<512x128xi32> -> vector<512x128xf32>
    %ge3A_383 = arith.constant 2 : i32
    %ge3A_384 = vector.broadcast %ge3A_383 : i32 to vector<512x1xi32>
    %ge3A_385 = arith.cmpi sge, %get3A_374, %ge3A_384 : vector<512x1xi32>
    %broadcast_in_dim3A_386 = vector.shape_cast %ge3A_385 : vector<512x1xi1> to vector<512x1xi1>
    %broadcast_in_dim3A_387 = vector.broadcast %broadcast_in_dim3A_386 : vector<512x1xi1> to vector<512x128xi1>
    %select_n3A_388 = arith.select %broadcast_in_dim3A_387, %bitcast_convert_type3A_382, %bitcast_convert_type3A_378 : vector<512x128xi1>, vector<512x128xf32>
    %and3A_389 = arith.constant 1 : i32
    %and3A_390 = vector.broadcast %and3A_389 : i32 to vector<512x1xi32>
    %and3A_391 = arith.andi %get3A_374, %and3A_390 : vector<512x1xi32>
    %eq3A_392 = vector.broadcast %and3A_391 : vector<512x1xi32> to vector<512x128xi32>
    %eq3A_393 = arith.cmpi eq, %select_n3A, %eq3A_392 : vector<512x128xi32>
    %jit3A_394 = arith.constant 0.000000e+00 : f32
    %broadcast_in_dim3A_395 = vector.broadcast %jit3A_394 : f32 to vector<512x128xf32>
    %select_n3A_396 = arith.select %eq3A_393, %select_n3A_388, %broadcast_in_dim3A_395 : vector<512x128xi1>, vector<512x128xf32>
    %convert_element_type3A_397 = arith.truncf %select_n3A_396 : vector<512x128xf32> to vector<512x128xbf16>
    %get3A_398 = arith.constant 9 : index
    %get3A_399 = arith.constant 0 : index
    %get3A_400 = arith.constant 0 : index
    %get3A_401 = vector.load %arg3[%get3A_398, %get3A_399, %get3A_400] : memref<30x128x128xbf16, #tpu.memory_space<vmem>>, vector<1x128x128xbf16>
    %get3A_402 = vector.shape_cast %get3A_401 : vector<1x128x128xbf16> to vector<128x128xbf16>
    %dot_general3A_403 = arith.constant dense<0.000000e+00> : vector<512x128xf32>
    %dot_general3A_404 = tpu.matmul %convert_element_type3A_397, %get3A_402, %dot_general3A_403 {dimension_numbers = #tpu.dot_dimension_numbers<[1], [0], [0], [1], [0, 0, 1, 1], [], []>, transpose_lhs_hint = false} : vector<512x128xbf16>, vector<128x128xbf16>, vector<512x128xf32> -> vector<512x128xf32>
    %add3A_405 = arith.addf %add3A_366, %dot_general3A_404 : vector<512x128xf32>
    %get3A_406 = arith.constant 10 : index
    %get3A_407 = arith.constant 0 : index
    %get3A_408 = arith.constant 0 : index
    %get3A_409 = vector.load %arg1[%get3A_406, %get3A_407, %get3A_408] : memref<30x512x128xi32, #tpu.memory_space<vmem>>, vector<1x512x128xi32>
    %get3A_410 = vector.shape_cast %get3A_409 : vector<1x512x128xi32> to vector<512x128xi32>
    %get3A_411 = arith.constant 0 : index
    %get3A_412 = arith.constant 10 : index
    %get3A_413 = vector.load %arg2[%get3A_411, %get3A_412] : memref<512x30xi32, #tpu.memory_space<vmem>>, vector<512x1xi32>
    %shift_left3A_414 = arith.constant 16 : i32
    %shift_left3A_415 = vector.broadcast %shift_left3A_414 : i32 to vector<512x128xi32>
    %shift_left3A_416 = arith.shli %get3A_410, %shift_left3A_415 : vector<512x128xi32>
    %bitcast_convert_type3A_417 = tpu.bitcast %shift_left3A_416 : vector<512x128xi32> -> vector<512x128xf32>
    %and3A_418 = arith.constant -65536 : i32
    %and3A_419 = vector.broadcast %and3A_418 : i32 to vector<512x128xi32>
    %and3A_420 = arith.andi %get3A_410, %and3A_419 : vector<512x128xi32>
    %bitcast_convert_type3A_421 = tpu.bitcast %and3A_420 : vector<512x128xi32> -> vector<512x128xf32>
    %ge3A_422 = arith.constant 2 : i32
    %ge3A_423 = vector.broadcast %ge3A_422 : i32 to vector<512x1xi32>
    %ge3A_424 = arith.cmpi sge, %get3A_413, %ge3A_423 : vector<512x1xi32>
    %broadcast_in_dim3A_425 = vector.shape_cast %ge3A_424 : vector<512x1xi1> to vector<512x1xi1>
    %broadcast_in_dim3A_426 = vector.broadcast %broadcast_in_dim3A_425 : vector<512x1xi1> to vector<512x128xi1>
    %select_n3A_427 = arith.select %broadcast_in_dim3A_426, %bitcast_convert_type3A_421, %bitcast_convert_type3A_417 : vector<512x128xi1>, vector<512x128xf32>
    %and3A_428 = arith.constant 1 : i32
    %and3A_429 = vector.broadcast %and3A_428 : i32 to vector<512x1xi32>
    %and3A_430 = arith.andi %get3A_413, %and3A_429 : vector<512x1xi32>
    %eq3A_431 = vector.broadcast %and3A_430 : vector<512x1xi32> to vector<512x128xi32>
    %eq3A_432 = arith.cmpi eq, %select_n3A, %eq3A_431 : vector<512x128xi32>
    %jit3A_433 = arith.constant 0.000000e+00 : f32
    %broadcast_in_dim3A_434 = vector.broadcast %jit3A_433 : f32 to vector<512x128xf32>
    %select_n3A_435 = arith.select %eq3A_432, %select_n3A_427, %broadcast_in_dim3A_434 : vector<512x128xi1>, vector<512x128xf32>
    %convert_element_type3A_436 = arith.truncf %select_n3A_435 : vector<512x128xf32> to vector<512x128xbf16>
    %get3A_437 = arith.constant 10 : index
    %get3A_438 = arith.constant 0 : index
    %get3A_439 = arith.constant 0 : index
    %get3A_440 = vector.load %arg3[%get3A_437, %get3A_438, %get3A_439] : memref<30x128x128xbf16, #tpu.memory_space<vmem>>, vector<1x128x128xbf16>
    %get3A_441 = vector.shape_cast %get3A_440 : vector<1x128x128xbf16> to vector<128x128xbf16>
    %dot_general3A_442 = arith.constant dense<0.000000e+00> : vector<512x128xf32>
    %dot_general3A_443 = tpu.matmul %convert_element_type3A_436, %get3A_441, %dot_general3A_442 {dimension_numbers = #tpu.dot_dimension_numbers<[1], [0], [0], [1], [0, 0, 1, 1], [], []>, transpose_lhs_hint = false} : vector<512x128xbf16>, vector<128x128xbf16>, vector<512x128xf32> -> vector<512x128xf32>
    %add3A_444 = arith.addf %add3A_405, %dot_general3A_443 : vector<512x128xf32>
    %get3A_445 = arith.constant 11 : index
    %get3A_446 = arith.constant 0 : index
    %get3A_447 = arith.constant 0 : index
    %get3A_448 = vector.load %arg1[%get3A_445, %get3A_446, %get3A_447] : memref<30x512x128xi32, #tpu.memory_space<vmem>>, vector<1x512x128xi32>
    %get3A_449 = vector.shape_cast %get3A_448 : vector<1x512x128xi32> to vector<512x128xi32>
    %get3A_450 = arith.constant 0 : index
    %get3A_451 = arith.constant 11 : index
    %get3A_452 = vector.load %arg2[%get3A_450, %get3A_451] : memref<512x30xi32, #tpu.memory_space<vmem>>, vector<512x1xi32>
    %shift_left3A_453 = arith.constant 16 : i32
    %shift_left3A_454 = vector.broadcast %shift_left3A_453 : i32 to vector<512x128xi32>
    %shift_left3A_455 = arith.shli %get3A_449, %shift_left3A_454 : vector<512x128xi32>
    %bitcast_convert_type3A_456 = tpu.bitcast %shift_left3A_455 : vector<512x128xi32> -> vector<512x128xf32>
    %and3A_457 = arith.constant -65536 : i32
    %and3A_458 = vector.broadcast %and3A_457 : i32 to vector<512x128xi32>
    %and3A_459 = arith.andi %get3A_449, %and3A_458 : vector<512x128xi32>
    %bitcast_convert_type3A_460 = tpu.bitcast %and3A_459 : vector<512x128xi32> -> vector<512x128xf32>
    %ge3A_461 = arith.constant 2 : i32
    %ge3A_462 = vector.broadcast %ge3A_461 : i32 to vector<512x1xi32>
    %ge3A_463 = arith.cmpi sge, %get3A_452, %ge3A_462 : vector<512x1xi32>
    %broadcast_in_dim3A_464 = vector.shape_cast %ge3A_463 : vector<512x1xi1> to vector<512x1xi1>
    %broadcast_in_dim3A_465 = vector.broadcast %broadcast_in_dim3A_464 : vector<512x1xi1> to vector<512x128xi1>
    %select_n3A_466 = arith.select %broadcast_in_dim3A_465, %bitcast_convert_type3A_460, %bitcast_convert_type3A_456 : vector<512x128xi1>, vector<512x128xf32>
    %and3A_467 = arith.constant 1 : i32
    %and3A_468 = vector.broadcast %and3A_467 : i32 to vector<512x1xi32>
    %and3A_469 = arith.andi %get3A_452, %and3A_468 : vector<512x1xi32>
    %eq3A_470 = vector.broadcast %and3A_469 : vector<512x1xi32> to vector<512x128xi32>
    %eq3A_471 = arith.cmpi eq, %select_n3A, %eq3A_470 : vector<512x128xi32>
    %jit3A_472 = arith.constant 0.000000e+00 : f32
    %broadcast_in_dim3A_473 = vector.broadcast %jit3A_472 : f32 to vector<512x128xf32>
    %select_n3A_474 = arith.select %eq3A_471, %select_n3A_466, %broadcast_in_dim3A_473 : vector<512x128xi1>, vector<512x128xf32>
    %convert_element_type3A_475 = arith.truncf %select_n3A_474 : vector<512x128xf32> to vector<512x128xbf16>
    %get3A_476 = arith.constant 11 : index
    %get3A_477 = arith.constant 0 : index
    %get3A_478 = arith.constant 0 : index
    %get3A_479 = vector.load %arg3[%get3A_476, %get3A_477, %get3A_478] : memref<30x128x128xbf16, #tpu.memory_space<vmem>>, vector<1x128x128xbf16>
    %get3A_480 = vector.shape_cast %get3A_479 : vector<1x128x128xbf16> to vector<128x128xbf16>
    %dot_general3A_481 = arith.constant dense<0.000000e+00> : vector<512x128xf32>
    %dot_general3A_482 = tpu.matmul %convert_element_type3A_475, %get3A_480, %dot_general3A_481 {dimension_numbers = #tpu.dot_dimension_numbers<[1], [0], [0], [1], [0, 0, 1, 1], [], []>, transpose_lhs_hint = false} : vector<512x128xbf16>, vector<128x128xbf16>, vector<512x128xf32> -> vector<512x128xf32>
    %add3A_483 = arith.addf %add3A_444, %dot_general3A_482 : vector<512x128xf32>
    %get3A_484 = arith.constant 12 : index
    %get3A_485 = arith.constant 0 : index
    %get3A_486 = arith.constant 0 : index
    %get3A_487 = vector.load %arg1[%get3A_484, %get3A_485, %get3A_486] : memref<30x512x128xi32, #tpu.memory_space<vmem>>, vector<1x512x128xi32>
    %get3A_488 = vector.shape_cast %get3A_487 : vector<1x512x128xi32> to vector<512x128xi32>
    %get3A_489 = arith.constant 0 : index
    %get3A_490 = arith.constant 12 : index
    %get3A_491 = vector.load %arg2[%get3A_489, %get3A_490] : memref<512x30xi32, #tpu.memory_space<vmem>>, vector<512x1xi32>
    %shift_left3A_492 = arith.constant 16 : i32
    %shift_left3A_493 = vector.broadcast %shift_left3A_492 : i32 to vector<512x128xi32>
    %shift_left3A_494 = arith.shli %get3A_488, %shift_left3A_493 : vector<512x128xi32>
    %bitcast_convert_type3A_495 = tpu.bitcast %shift_left3A_494 : vector<512x128xi32> -> vector<512x128xf32>
    %and3A_496 = arith.constant -65536 : i32
    %and3A_497 = vector.broadcast %and3A_496 : i32 to vector<512x128xi32>
    %and3A_498 = arith.andi %get3A_488, %and3A_497 : vector<512x128xi32>
    %bitcast_convert_type3A_499 = tpu.bitcast %and3A_498 : vector<512x128xi32> -> vector<512x128xf32>
    %ge3A_500 = arith.constant 2 : i32
    %ge3A_501 = vector.broadcast %ge3A_500 : i32 to vector<512x1xi32>
    %ge3A_502 = arith.cmpi sge, %get3A_491, %ge3A_501 : vector<512x1xi32>
    %broadcast_in_dim3A_503 = vector.shape_cast %ge3A_502 : vector<512x1xi1> to vector<512x1xi1>
    %broadcast_in_dim3A_504 = vector.broadcast %broadcast_in_dim3A_503 : vector<512x1xi1> to vector<512x128xi1>
    %select_n3A_505 = arith.select %broadcast_in_dim3A_504, %bitcast_convert_type3A_499, %bitcast_convert_type3A_495 : vector<512x128xi1>, vector<512x128xf32>
    %and3A_506 = arith.constant 1 : i32
    %and3A_507 = vector.broadcast %and3A_506 : i32 to vector<512x1xi32>
    %and3A_508 = arith.andi %get3A_491, %and3A_507 : vector<512x1xi32>
    %eq3A_509 = vector.broadcast %and3A_508 : vector<512x1xi32> to vector<512x128xi32>
    %eq3A_510 = arith.cmpi eq, %select_n3A, %eq3A_509 : vector<512x128xi32>
    %jit3A_511 = arith.constant 0.000000e+00 : f32
    %broadcast_in_dim3A_512 = vector.broadcast %jit3A_511 : f32 to vector<512x128xf32>
    %select_n3A_513 = arith.select %eq3A_510, %select_n3A_505, %broadcast_in_dim3A_512 : vector<512x128xi1>, vector<512x128xf32>
    %convert_element_type3A_514 = arith.truncf %select_n3A_513 : vector<512x128xf32> to vector<512x128xbf16>
    %get3A_515 = arith.constant 12 : index
    %get3A_516 = arith.constant 0 : index
    %get3A_517 = arith.constant 0 : index
    %get3A_518 = vector.load %arg3[%get3A_515, %get3A_516, %get3A_517] : memref<30x128x128xbf16, #tpu.memory_space<vmem>>, vector<1x128x128xbf16>
    %get3A_519 = vector.shape_cast %get3A_518 : vector<1x128x128xbf16> to vector<128x128xbf16>
    %dot_general3A_520 = arith.constant dense<0.000000e+00> : vector<512x128xf32>
    %dot_general3A_521 = tpu.matmul %convert_element_type3A_514, %get3A_519, %dot_general3A_520 {dimension_numbers = #tpu.dot_dimension_numbers<[1], [0], [0], [1], [0, 0, 1, 1], [], []>, transpose_lhs_hint = false} : vector<512x128xbf16>, vector<128x128xbf16>, vector<512x128xf32> -> vector<512x128xf32>
    %add3A_522 = arith.addf %add3A_483, %dot_general3A_521 : vector<512x128xf32>
    %get3A_523 = arith.constant 13 : index
    %get3A_524 = arith.constant 0 : index
    %get3A_525 = arith.constant 0 : index
    %get3A_526 = vector.load %arg1[%get3A_523, %get3A_524, %get3A_525] : memref<30x512x128xi32, #tpu.memory_space<vmem>>, vector<1x512x128xi32>
    %get3A_527 = vector.shape_cast %get3A_526 : vector<1x512x128xi32> to vector<512x128xi32>
    %get3A_528 = arith.constant 0 : index
    %get3A_529 = arith.constant 13 : index
    %get3A_530 = vector.load %arg2[%get3A_528, %get3A_529] : memref<512x30xi32, #tpu.memory_space<vmem>>, vector<512x1xi32>
    %shift_left3A_531 = arith.constant 16 : i32
    %shift_left3A_532 = vector.broadcast %shift_left3A_531 : i32 to vector<512x128xi32>
    %shift_left3A_533 = arith.shli %get3A_527, %shift_left3A_532 : vector<512x128xi32>
    %bitcast_convert_type3A_534 = tpu.bitcast %shift_left3A_533 : vector<512x128xi32> -> vector<512x128xf32>
    %and3A_535 = arith.constant -65536 : i32
    %and3A_536 = vector.broadcast %and3A_535 : i32 to vector<512x128xi32>
    %and3A_537 = arith.andi %get3A_527, %and3A_536 : vector<512x128xi32>
    %bitcast_convert_type3A_538 = tpu.bitcast %and3A_537 : vector<512x128xi32> -> vector<512x128xf32>
    %ge3A_539 = arith.constant 2 : i32
    %ge3A_540 = vector.broadcast %ge3A_539 : i32 to vector<512x1xi32>
    %ge3A_541 = arith.cmpi sge, %get3A_530, %ge3A_540 : vector<512x1xi32>
    %broadcast_in_dim3A_542 = vector.shape_cast %ge3A_541 : vector<512x1xi1> to vector<512x1xi1>
    %broadcast_in_dim3A_543 = vector.broadcast %broadcast_in_dim3A_542 : vector<512x1xi1> to vector<512x128xi1>
    %select_n3A_544 = arith.select %broadcast_in_dim3A_543, %bitcast_convert_type3A_538, %bitcast_convert_type3A_534 : vector<512x128xi1>, vector<512x128xf32>
    %and3A_545 = arith.constant 1 : i32
    %and3A_546 = vector.broadcast %and3A_545 : i32 to vector<512x1xi32>
    %and3A_547 = arith.andi %get3A_530, %and3A_546 : vector<512x1xi32>
    %eq3A_548 = vector.broadcast %and3A_547 : vector<512x1xi32> to vector<512x128xi32>
    %eq3A_549 = arith.cmpi eq, %select_n3A, %eq3A_548 : vector<512x128xi32>
    %jit3A_550 = arith.constant 0.000000e+00 : f32
    %broadcast_in_dim3A_551 = vector.broadcast %jit3A_550 : f32 to vector<512x128xf32>
    %select_n3A_552 = arith.select %eq3A_549, %select_n3A_544, %broadcast_in_dim3A_551 : vector<512x128xi1>, vector<512x128xf32>
    %convert_element_type3A_553 = arith.truncf %select_n3A_552 : vector<512x128xf32> to vector<512x128xbf16>
    %get3A_554 = arith.constant 13 : index
    %get3A_555 = arith.constant 0 : index
    %get3A_556 = arith.constant 0 : index
    %get3A_557 = vector.load %arg3[%get3A_554, %get3A_555, %get3A_556] : memref<30x128x128xbf16, #tpu.memory_space<vmem>>, vector<1x128x128xbf16>
    %get3A_558 = vector.shape_cast %get3A_557 : vector<1x128x128xbf16> to vector<128x128xbf16>
    %dot_general3A_559 = arith.constant dense<0.000000e+00> : vector<512x128xf32>
    %dot_general3A_560 = tpu.matmul %convert_element_type3A_553, %get3A_558, %dot_general3A_559 {dimension_numbers = #tpu.dot_dimension_numbers<[1], [0], [0], [1], [0, 0, 1, 1], [], []>, transpose_lhs_hint = false} : vector<512x128xbf16>, vector<128x128xbf16>, vector<512x128xf32> -> vector<512x128xf32>
    %add3A_561 = arith.addf %add3A_522, %dot_general3A_560 : vector<512x128xf32>
    %get3A_562 = arith.constant 14 : index
    %get3A_563 = arith.constant 0 : index
    %get3A_564 = arith.constant 0 : index
    %get3A_565 = vector.load %arg1[%get3A_562, %get3A_563, %get3A_564] : memref<30x512x128xi32, #tpu.memory_space<vmem>>, vector<1x512x128xi32>
    %get3A_566 = vector.shape_cast %get3A_565 : vector<1x512x128xi32> to vector<512x128xi32>
    %get3A_567 = arith.constant 0 : index
    %get3A_568 = arith.constant 14 : index
    %get3A_569 = vector.load %arg2[%get3A_567, %get3A_568] : memref<512x30xi32, #tpu.memory_space<vmem>>, vector<512x1xi32>
    %shift_left3A_570 = arith.constant 16 : i32
    %shift_left3A_571 = vector.broadcast %shift_left3A_570 : i32 to vector<512x128xi32>
    %shift_left3A_572 = arith.shli %get3A_566, %shift_left3A_571 : vector<512x128xi32>
    %bitcast_convert_type3A_573 = tpu.bitcast %shift_left3A_572 : vector<512x128xi32> -> vector<512x128xf32>
    %and3A_574 = arith.constant -65536 : i32
    %and3A_575 = vector.broadcast %and3A_574 : i32 to vector<512x128xi32>
    %and3A_576 = arith.andi %get3A_566, %and3A_575 : vector<512x128xi32>
    %bitcast_convert_type3A_577 = tpu.bitcast %and3A_576 : vector<512x128xi32> -> vector<512x128xf32>
    %ge3A_578 = arith.constant 2 : i32
    %ge3A_579 = vector.broadcast %ge3A_578 : i32 to vector<512x1xi32>
    %ge3A_580 = arith.cmpi sge, %get3A_569, %ge3A_579 : vector<512x1xi32>
    %broadcast_in_dim3A_581 = vector.shape_cast %ge3A_580 : vector<512x1xi1> to vector<512x1xi1>
    %broadcast_in_dim3A_582 = vector.broadcast %broadcast_in_dim3A_581 : vector<512x1xi1> to vector<512x128xi1>
    %select_n3A_583 = arith.select %broadcast_in_dim3A_582, %bitcast_convert_type3A_577, %bitcast_convert_type3A_573 : vector<512x128xi1>, vector<512x128xf32>
    %and3A_584 = arith.constant 1 : i32
    %and3A_585 = vector.broadcast %and3A_584 : i32 to vector<512x1xi32>
    %and3A_586 = arith.andi %get3A_569, %and3A_585 : vector<512x1xi32>
    %eq3A_587 = vector.broadcast %and3A_586 : vector<512x1xi32> to vector<512x128xi32>
    %eq3A_588 = arith.cmpi eq, %select_n3A, %eq3A_587 : vector<512x128xi32>
    %jit3A_589 = arith.constant 0.000000e+00 : f32
    %broadcast_in_dim3A_590 = vector.broadcast %jit3A_589 : f32 to vector<512x128xf32>
    %select_n3A_591 = arith.select %eq3A_588, %select_n3A_583, %broadcast_in_dim3A_590 : vector<512x128xi1>, vector<512x128xf32>
    %convert_element_type3A_592 = arith.truncf %select_n3A_591 : vector<512x128xf32> to vector<512x128xbf16>
    %get3A_593 = arith.constant 14 : index
    %get3A_594 = arith.constant 0 : index
    %get3A_595 = arith.constant 0 : index
    %get3A_596 = vector.load %arg3[%get3A_593, %get3A_594, %get3A_595] : memref<30x128x128xbf16, #tpu.memory_space<vmem>>, vector<1x128x128xbf16>
    %get3A_597 = vector.shape_cast %get3A_596 : vector<1x128x128xbf16> to vector<128x128xbf16>
    %dot_general3A_598 = arith.constant dense<0.000000e+00> : vector<512x128xf32>
    %dot_general3A_599 = tpu.matmul %convert_element_type3A_592, %get3A_597, %dot_general3A_598 {dimension_numbers = #tpu.dot_dimension_numbers<[1], [0], [0], [1], [0, 0, 1, 1], [], []>, transpose_lhs_hint = false} : vector<512x128xbf16>, vector<128x128xbf16>, vector<512x128xf32> -> vector<512x128xf32>
    %add3A_600 = arith.addf %add3A_561, %dot_general3A_599 : vector<512x128xf32>
    %get3A_601 = arith.constant 15 : index
    %get3A_602 = arith.constant 0 : index
    %get3A_603 = arith.constant 0 : index
    %get3A_604 = vector.load %arg1[%get3A_601, %get3A_602, %get3A_603] : memref<30x512x128xi32, #tpu.memory_space<vmem>>, vector<1x512x128xi32>
    %get3A_605 = vector.shape_cast %get3A_604 : vector<1x512x128xi32> to vector<512x128xi32>
    %get3A_606 = arith.constant 0 : index
    %get3A_607 = arith.constant 15 : index
    %get3A_608 = vector.load %arg2[%get3A_606, %get3A_607] : memref<512x30xi32, #tpu.memory_space<vmem>>, vector<512x1xi32>
    %shift_left3A_609 = arith.constant 16 : i32
    %shift_left3A_610 = vector.broadcast %shift_left3A_609 : i32 to vector<512x128xi32>
    %shift_left3A_611 = arith.shli %get3A_605, %shift_left3A_610 : vector<512x128xi32>
    %bitcast_convert_type3A_612 = tpu.bitcast %shift_left3A_611 : vector<512x128xi32> -> vector<512x128xf32>
    %and3A_613 = arith.constant -65536 : i32
    %and3A_614 = vector.broadcast %and3A_613 : i32 to vector<512x128xi32>
    %and3A_615 = arith.andi %get3A_605, %and3A_614 : vector<512x128xi32>
    %bitcast_convert_type3A_616 = tpu.bitcast %and3A_615 : vector<512x128xi32> -> vector<512x128xf32>
    %ge3A_617 = arith.constant 2 : i32
    %ge3A_618 = vector.broadcast %ge3A_617 : i32 to vector<512x1xi32>
    %ge3A_619 = arith.cmpi sge, %get3A_608, %ge3A_618 : vector<512x1xi32>
    %broadcast_in_dim3A_620 = vector.shape_cast %ge3A_619 : vector<512x1xi1> to vector<512x1xi1>
    %broadcast_in_dim3A_621 = vector.broadcast %broadcast_in_dim3A_620 : vector<512x1xi1> to vector<512x128xi1>
    %select_n3A_622 = arith.select %broadcast_in_dim3A_621, %bitcast_convert_type3A_616, %bitcast_convert_type3A_612 : vector<512x128xi1>, vector<512x128xf32>
    %and3A_623 = arith.constant 1 : i32
    %and3A_624 = vector.broadcast %and3A_623 : i32 to vector<512x1xi32>
    %and3A_625 = arith.andi %get3A_608, %and3A_624 : vector<512x1xi32>
    %eq3A_626 = vector.broadcast %and3A_625 : vector<512x1xi32> to vector<512x128xi32>
    %eq3A_627 = arith.cmpi eq, %select_n3A, %eq3A_626 : vector<512x128xi32>
    %jit3A_628 = arith.constant 0.000000e+00 : f32
    %broadcast_in_dim3A_629 = vector.broadcast %jit3A_628 : f32 to vector<512x128xf32>
    %select_n3A_630 = arith.select %eq3A_627, %select_n3A_622, %broadcast_in_dim3A_629 : vector<512x128xi1>, vector<512x128xf32>
    %convert_element_type3A_631 = arith.truncf %select_n3A_630 : vector<512x128xf32> to vector<512x128xbf16>
    %get3A_632 = arith.constant 15 : index
    %get3A_633 = arith.constant 0 : index
    %get3A_634 = arith.constant 0 : index
    %get3A_635 = vector.load %arg3[%get3A_632, %get3A_633, %get3A_634] : memref<30x128x128xbf16, #tpu.memory_space<vmem>>, vector<1x128x128xbf16>
    %get3A_636 = vector.shape_cast %get3A_635 : vector<1x128x128xbf16> to vector<128x128xbf16>
    %dot_general3A_637 = arith.constant dense<0.000000e+00> : vector<512x128xf32>
    %dot_general3A_638 = tpu.matmul %convert_element_type3A_631, %get3A_636, %dot_general3A_637 {dimension_numbers = #tpu.dot_dimension_numbers<[1], [0], [0], [1], [0, 0, 1, 1], [], []>, transpose_lhs_hint = false} : vector<512x128xbf16>, vector<128x128xbf16>, vector<512x128xf32> -> vector<512x128xf32>
    %add3A_639 = arith.addf %add3A_600, %dot_general3A_638 : vector<512x128xf32>
    %get3A_640 = arith.constant 16 : index
    %get3A_641 = arith.constant 0 : index
    %get3A_642 = arith.constant 0 : index
    %get3A_643 = vector.load %arg1[%get3A_640, %get3A_641, %get3A_642] : memref<30x512x128xi32, #tpu.memory_space<vmem>>, vector<1x512x128xi32>
    %get3A_644 = vector.shape_cast %get3A_643 : vector<1x512x128xi32> to vector<512x128xi32>
    %get3A_645 = arith.constant 0 : index
    %get3A_646 = arith.constant 16 : index
    %get3A_647 = vector.load %arg2[%get3A_645, %get3A_646] : memref<512x30xi32, #tpu.memory_space<vmem>>, vector<512x1xi32>
    %shift_left3A_648 = arith.constant 16 : i32
    %shift_left3A_649 = vector.broadcast %shift_left3A_648 : i32 to vector<512x128xi32>
    %shift_left3A_650 = arith.shli %get3A_644, %shift_left3A_649 : vector<512x128xi32>
    %bitcast_convert_type3A_651 = tpu.bitcast %shift_left3A_650 : vector<512x128xi32> -> vector<512x128xf32>
    %and3A_652 = arith.constant -65536 : i32
    %and3A_653 = vector.broadcast %and3A_652 : i32 to vector<512x128xi32>
    %and3A_654 = arith.andi %get3A_644, %and3A_653 : vector<512x128xi32>
    %bitcast_convert_type3A_655 = tpu.bitcast %and3A_654 : vector<512x128xi32> -> vector<512x128xf32>
    %ge3A_656 = arith.constant 2 : i32
    %ge3A_657 = vector.broadcast %ge3A_656 : i32 to vector<512x1xi32>
    %ge3A_658 = arith.cmpi sge, %get3A_647, %ge3A_657 : vector<512x1xi32>
    %broadcast_in_dim3A_659 = vector.shape_cast %ge3A_658 : vector<512x1xi1> to vector<512x1xi1>
    %broadcast_in_dim3A_660 = vector.broadcast %broadcast_in_dim3A_659 : vector<512x1xi1> to vector<512x128xi1>
    %select_n3A_661 = arith.select %broadcast_in_dim3A_660, %bitcast_convert_type3A_655, %bitcast_convert_type3A_651 : vector<512x128xi1>, vector<512x128xf32>
    %and3A_662 = arith.constant 1 : i32
    %and3A_663 = vector.broadcast %and3A_662 : i32 to vector<512x1xi32>
    %and3A_664 = arith.andi %get3A_647, %and3A_663 : vector<512x1xi32>
    %eq3A_665 = vector.broadcast %and3A_664 : vector<512x1xi32> to vector<512x128xi32>
    %eq3A_666 = arith.cmpi eq, %select_n3A, %eq3A_665 : vector<512x128xi32>
    %jit3A_667 = arith.constant 0.000000e+00 : f32
    %broadcast_in_dim3A_668 = vector.broadcast %jit3A_667 : f32 to vector<512x128xf32>
    %select_n3A_669 = arith.select %eq3A_666, %select_n3A_661, %broadcast_in_dim3A_668 : vector<512x128xi1>, vector<512x128xf32>
    %convert_element_type3A_670 = arith.truncf %select_n3A_669 : vector<512x128xf32> to vector<512x128xbf16>
    %get3A_671 = arith.constant 16 : index
    %get3A_672 = arith.constant 0 : index
    %get3A_673 = arith.constant 0 : index
    %get3A_674 = vector.load %arg3[%get3A_671, %get3A_672, %get3A_673] : memref<30x128x128xbf16, #tpu.memory_space<vmem>>, vector<1x128x128xbf16>
    %get3A_675 = vector.shape_cast %get3A_674 : vector<1x128x128xbf16> to vector<128x128xbf16>
    %dot_general3A_676 = arith.constant dense<0.000000e+00> : vector<512x128xf32>
    %dot_general3A_677 = tpu.matmul %convert_element_type3A_670, %get3A_675, %dot_general3A_676 {dimension_numbers = #tpu.dot_dimension_numbers<[1], [0], [0], [1], [0, 0, 1, 1], [], []>, transpose_lhs_hint = false} : vector<512x128xbf16>, vector<128x128xbf16>, vector<512x128xf32> -> vector<512x128xf32>
    %add3A_678 = arith.addf %add3A_639, %dot_general3A_677 : vector<512x128xf32>
    %get3A_679 = arith.constant 17 : index
    %get3A_680 = arith.constant 0 : index
    %get3A_681 = arith.constant 0 : index
    %get3A_682 = vector.load %arg1[%get3A_679, %get3A_680, %get3A_681] : memref<30x512x128xi32, #tpu.memory_space<vmem>>, vector<1x512x128xi32>
    %get3A_683 = vector.shape_cast %get3A_682 : vector<1x512x128xi32> to vector<512x128xi32>
    %get3A_684 = arith.constant 0 : index
    %get3A_685 = arith.constant 17 : index
    %get3A_686 = vector.load %arg2[%get3A_684, %get3A_685] : memref<512x30xi32, #tpu.memory_space<vmem>>, vector<512x1xi32>
    %shift_left3A_687 = arith.constant 16 : i32
    %shift_left3A_688 = vector.broadcast %shift_left3A_687 : i32 to vector<512x128xi32>
    %shift_left3A_689 = arith.shli %get3A_683, %shift_left3A_688 : vector<512x128xi32>
    %bitcast_convert_type3A_690 = tpu.bitcast %shift_left3A_689 : vector<512x128xi32> -> vector<512x128xf32>
    %and3A_691 = arith.constant -65536 : i32
    %and3A_692 = vector.broadcast %and3A_691 : i32 to vector<512x128xi32>
    %and3A_693 = arith.andi %get3A_683, %and3A_692 : vector<512x128xi32>
    %bitcast_convert_type3A_694 = tpu.bitcast %and3A_693 : vector<512x128xi32> -> vector<512x128xf32>
    %ge3A_695 = arith.constant 2 : i32
    %ge3A_696 = vector.broadcast %ge3A_695 : i32 to vector<512x1xi32>
    %ge3A_697 = arith.cmpi sge, %get3A_686, %ge3A_696 : vector<512x1xi32>
    %broadcast_in_dim3A_698 = vector.shape_cast %ge3A_697 : vector<512x1xi1> to vector<512x1xi1>
    %broadcast_in_dim3A_699 = vector.broadcast %broadcast_in_dim3A_698 : vector<512x1xi1> to vector<512x128xi1>
    %select_n3A_700 = arith.select %broadcast_in_dim3A_699, %bitcast_convert_type3A_694, %bitcast_convert_type3A_690 : vector<512x128xi1>, vector<512x128xf32>
    %and3A_701 = arith.constant 1 : i32
    %and3A_702 = vector.broadcast %and3A_701 : i32 to vector<512x1xi32>
    %and3A_703 = arith.andi %get3A_686, %and3A_702 : vector<512x1xi32>
    %eq3A_704 = vector.broadcast %and3A_703 : vector<512x1xi32> to vector<512x128xi32>
    %eq3A_705 = arith.cmpi eq, %select_n3A, %eq3A_704 : vector<512x128xi32>
    %jit3A_706 = arith.constant 0.000000e+00 : f32
    %broadcast_in_dim3A_707 = vector.broadcast %jit3A_706 : f32 to vector<512x128xf32>
    %select_n3A_708 = arith.select %eq3A_705, %select_n3A_700, %broadcast_in_dim3A_707 : vector<512x128xi1>, vector<512x128xf32>
    %convert_element_type3A_709 = arith.truncf %select_n3A_708 : vector<512x128xf32> to vector<512x128xbf16>
    %get3A_710 = arith.constant 17 : index
    %get3A_711 = arith.constant 0 : index
    %get3A_712 = arith.constant 0 : index
    %get3A_713 = vector.load %arg3[%get3A_710, %get3A_711, %get3A_712] : memref<30x128x128xbf16, #tpu.memory_space<vmem>>, vector<1x128x128xbf16>
    %get3A_714 = vector.shape_cast %get3A_713 : vector<1x128x128xbf16> to vector<128x128xbf16>
    %dot_general3A_715 = arith.constant dense<0.000000e+00> : vector<512x128xf32>
    %dot_general3A_716 = tpu.matmul %convert_element_type3A_709, %get3A_714, %dot_general3A_715 {dimension_numbers = #tpu.dot_dimension_numbers<[1], [0], [0], [1], [0, 0, 1, 1], [], []>, transpose_lhs_hint = false} : vector<512x128xbf16>, vector<128x128xbf16>, vector<512x128xf32> -> vector<512x128xf32>
    %add3A_717 = arith.addf %add3A_678, %dot_general3A_716 : vector<512x128xf32>
    %get3A_718 = arith.constant 18 : index
    %get3A_719 = arith.constant 0 : index
    %get3A_720 = arith.constant 0 : index
    %get3A_721 = vector.load %arg1[%get3A_718, %get3A_719, %get3A_720] : memref<30x512x128xi32, #tpu.memory_space<vmem>>, vector<1x512x128xi32>
    %get3A_722 = vector.shape_cast %get3A_721 : vector<1x512x128xi32> to vector<512x128xi32>
    %get3A_723 = arith.constant 0 : index
    %get3A_724 = arith.constant 18 : index
    %get3A_725 = vector.load %arg2[%get3A_723, %get3A_724] : memref<512x30xi32, #tpu.memory_space<vmem>>, vector<512x1xi32>
    %shift_left3A_726 = arith.constant 16 : i32
    %shift_left3A_727 = vector.broadcast %shift_left3A_726 : i32 to vector<512x128xi32>
    %shift_left3A_728 = arith.shli %get3A_722, %shift_left3A_727 : vector<512x128xi32>
    %bitcast_convert_type3A_729 = tpu.bitcast %shift_left3A_728 : vector<512x128xi32> -> vector<512x128xf32>
    %and3A_730 = arith.constant -65536 : i32
    %and3A_731 = vector.broadcast %and3A_730 : i32 to vector<512x128xi32>
    %and3A_732 = arith.andi %get3A_722, %and3A_731 : vector<512x128xi32>
    %bitcast_convert_type3A_733 = tpu.bitcast %and3A_732 : vector<512x128xi32> -> vector<512x128xf32>
    %ge3A_734 = arith.constant 2 : i32
    %ge3A_735 = vector.broadcast %ge3A_734 : i32 to vector<512x1xi32>
    %ge3A_736 = arith.cmpi sge, %get3A_725, %ge3A_735 : vector<512x1xi32>
    %broadcast_in_dim3A_737 = vector.shape_cast %ge3A_736 : vector<512x1xi1> to vector<512x1xi1>
    %broadcast_in_dim3A_738 = vector.broadcast %broadcast_in_dim3A_737 : vector<512x1xi1> to vector<512x128xi1>
    %select_n3A_739 = arith.select %broadcast_in_dim3A_738, %bitcast_convert_type3A_733, %bitcast_convert_type3A_729 : vector<512x128xi1>, vector<512x128xf32>
    %and3A_740 = arith.constant 1 : i32
    %and3A_741 = vector.broadcast %and3A_740 : i32 to vector<512x1xi32>
    %and3A_742 = arith.andi %get3A_725, %and3A_741 : vector<512x1xi32>
    %eq3A_743 = vector.broadcast %and3A_742 : vector<512x1xi32> to vector<512x128xi32>
    %eq3A_744 = arith.cmpi eq, %select_n3A, %eq3A_743 : vector<512x128xi32>
    %jit3A_745 = arith.constant 0.000000e+00 : f32
    %broadcast_in_dim3A_746 = vector.broadcast %jit3A_745 : f32 to vector<512x128xf32>
    %select_n3A_747 = arith.select %eq3A_744, %select_n3A_739, %broadcast_in_dim3A_746 : vector<512x128xi1>, vector<512x128xf32>
    %convert_element_type3A_748 = arith.truncf %select_n3A_747 : vector<512x128xf32> to vector<512x128xbf16>
    %get3A_749 = arith.constant 18 : index
    %get3A_750 = arith.constant 0 : index
    %get3A_751 = arith.constant 0 : index
    %get3A_752 = vector.load %arg3[%get3A_749, %get3A_750, %get3A_751] : memref<30x128x128xbf16, #tpu.memory_space<vmem>>, vector<1x128x128xbf16>
    %get3A_753 = vector.shape_cast %get3A_752 : vector<1x128x128xbf16> to vector<128x128xbf16>
    %dot_general3A_754 = arith.constant dense<0.000000e+00> : vector<512x128xf32>
    %dot_general3A_755 = tpu.matmul %convert_element_type3A_748, %get3A_753, %dot_general3A_754 {dimension_numbers = #tpu.dot_dimension_numbers<[1], [0], [0], [1], [0, 0, 1, 1], [], []>, transpose_lhs_hint = false} : vector<512x128xbf16>, vector<128x128xbf16>, vector<512x128xf32> -> vector<512x128xf32>
    %add3A_756 = arith.addf %add3A_717, %dot_general3A_755 : vector<512x128xf32>
    %get3A_757 = arith.constant 19 : index
    %get3A_758 = arith.constant 0 : index
    %get3A_759 = arith.constant 0 : index
    %get3A_760 = vector.load %arg1[%get3A_757, %get3A_758, %get3A_759] : memref<30x512x128xi32, #tpu.memory_space<vmem>>, vector<1x512x128xi32>
    %get3A_761 = vector.shape_cast %get3A_760 : vector<1x512x128xi32> to vector<512x128xi32>
    %get3A_762 = arith.constant 0 : index
    %get3A_763 = arith.constant 19 : index
    %get3A_764 = vector.load %arg2[%get3A_762, %get3A_763] : memref<512x30xi32, #tpu.memory_space<vmem>>, vector<512x1xi32>
    %shift_left3A_765 = arith.constant 16 : i32
    %shift_left3A_766 = vector.broadcast %shift_left3A_765 : i32 to vector<512x128xi32>
    %shift_left3A_767 = arith.shli %get3A_761, %shift_left3A_766 : vector<512x128xi32>
    %bitcast_convert_type3A_768 = tpu.bitcast %shift_left3A_767 : vector<512x128xi32> -> vector<512x128xf32>
    %and3A_769 = arith.constant -65536 : i32
    %and3A_770 = vector.broadcast %and3A_769 : i32 to vector<512x128xi32>
    %and3A_771 = arith.andi %get3A_761, %and3A_770 : vector<512x128xi32>
    %bitcast_convert_type3A_772 = tpu.bitcast %and3A_771 : vector<512x128xi32> -> vector<512x128xf32>
    %ge3A_773 = arith.constant 2 : i32
    %ge3A_774 = vector.broadcast %ge3A_773 : i32 to vector<512x1xi32>
    %ge3A_775 = arith.cmpi sge, %get3A_764, %ge3A_774 : vector<512x1xi32>
    %broadcast_in_dim3A_776 = vector.shape_cast %ge3A_775 : vector<512x1xi1> to vector<512x1xi1>
    %broadcast_in_dim3A_777 = vector.broadcast %broadcast_in_dim3A_776 : vector<512x1xi1> to vector<512x128xi1>
    %select_n3A_778 = arith.select %broadcast_in_dim3A_777, %bitcast_convert_type3A_772, %bitcast_convert_type3A_768 : vector<512x128xi1>, vector<512x128xf32>
    %and3A_779 = arith.constant 1 : i32
    %and3A_780 = vector.broadcast %and3A_779 : i32 to vector<512x1xi32>
    %and3A_781 = arith.andi %get3A_764, %and3A_780 : vector<512x1xi32>
    %eq3A_782 = vector.broadcast %and3A_781 : vector<512x1xi32> to vector<512x128xi32>
    %eq3A_783 = arith.cmpi eq, %select_n3A, %eq3A_782 : vector<512x128xi32>
    %jit3A_784 = arith.constant 0.000000e+00 : f32
    %broadcast_in_dim3A_785 = vector.broadcast %jit3A_784 : f32 to vector<512x128xf32>
    %select_n3A_786 = arith.select %eq3A_783, %select_n3A_778, %broadcast_in_dim3A_785 : vector<512x128xi1>, vector<512x128xf32>
    %convert_element_type3A_787 = arith.truncf %select_n3A_786 : vector<512x128xf32> to vector<512x128xbf16>
    %get3A_788 = arith.constant 19 : index
    %get3A_789 = arith.constant 0 : index
    %get3A_790 = arith.constant 0 : index
    %get3A_791 = vector.load %arg3[%get3A_788, %get3A_789, %get3A_790] : memref<30x128x128xbf16, #tpu.memory_space<vmem>>, vector<1x128x128xbf16>
    %get3A_792 = vector.shape_cast %get3A_791 : vector<1x128x128xbf16> to vector<128x128xbf16>
    %dot_general3A_793 = arith.constant dense<0.000000e+00> : vector<512x128xf32>
    %dot_general3A_794 = tpu.matmul %convert_element_type3A_787, %get3A_792, %dot_general3A_793 {dimension_numbers = #tpu.dot_dimension_numbers<[1], [0], [0], [1], [0, 0, 1, 1], [], []>, transpose_lhs_hint = false} : vector<512x128xbf16>, vector<128x128xbf16>, vector<512x128xf32> -> vector<512x128xf32>
    %add3A_795 = arith.addf %add3A_756, %dot_general3A_794 : vector<512x128xf32>
    %get3A_796 = arith.constant 20 : index
    %get3A_797 = arith.constant 0 : index
    %get3A_798 = arith.constant 0 : index
    %get3A_799 = vector.load %arg1[%get3A_796, %get3A_797, %get3A_798] : memref<30x512x128xi32, #tpu.memory_space<vmem>>, vector<1x512x128xi32>
    %get3A_800 = vector.shape_cast %get3A_799 : vector<1x512x128xi32> to vector<512x128xi32>
    %get3A_801 = arith.constant 0 : index
    %get3A_802 = arith.constant 20 : index
    %get3A_803 = vector.load %arg2[%get3A_801, %get3A_802] : memref<512x30xi32, #tpu.memory_space<vmem>>, vector<512x1xi32>
    %shift_left3A_804 = arith.constant 16 : i32
    %shift_left3A_805 = vector.broadcast %shift_left3A_804 : i32 to vector<512x128xi32>
    %shift_left3A_806 = arith.shli %get3A_800, %shift_left3A_805 : vector<512x128xi32>
    %bitcast_convert_type3A_807 = tpu.bitcast %shift_left3A_806 : vector<512x128xi32> -> vector<512x128xf32>
    %and3A_808 = arith.constant -65536 : i32
    %and3A_809 = vector.broadcast %and3A_808 : i32 to vector<512x128xi32>
    %and3A_810 = arith.andi %get3A_800, %and3A_809 : vector<512x128xi32>
    %bitcast_convert_type3A_811 = tpu.bitcast %and3A_810 : vector<512x128xi32> -> vector<512x128xf32>
    %ge3A_812 = arith.constant 2 : i32
    %ge3A_813 = vector.broadcast %ge3A_812 : i32 to vector<512x1xi32>
    %ge3A_814 = arith.cmpi sge, %get3A_803, %ge3A_813 : vector<512x1xi32>
    %broadcast_in_dim3A_815 = vector.shape_cast %ge3A_814 : vector<512x1xi1> to vector<512x1xi1>
    %broadcast_in_dim3A_816 = vector.broadcast %broadcast_in_dim3A_815 : vector<512x1xi1> to vector<512x128xi1>
    %select_n3A_817 = arith.select %broadcast_in_dim3A_816, %bitcast_convert_type3A_811, %bitcast_convert_type3A_807 : vector<512x128xi1>, vector<512x128xf32>
    %and3A_818 = arith.constant 1 : i32
    %and3A_819 = vector.broadcast %and3A_818 : i32 to vector<512x1xi32>
    %and3A_820 = arith.andi %get3A_803, %and3A_819 : vector<512x1xi32>
    %eq3A_821 = vector.broadcast %and3A_820 : vector<512x1xi32> to vector<512x128xi32>
    %eq3A_822 = arith.cmpi eq, %select_n3A, %eq3A_821 : vector<512x128xi32>
    %jit3A_823 = arith.constant 0.000000e+00 : f32
    %broadcast_in_dim3A_824 = vector.broadcast %jit3A_823 : f32 to vector<512x128xf32>
    %select_n3A_825 = arith.select %eq3A_822, %select_n3A_817, %broadcast_in_dim3A_824 : vector<512x128xi1>, vector<512x128xf32>
    %convert_element_type3A_826 = arith.truncf %select_n3A_825 : vector<512x128xf32> to vector<512x128xbf16>
    %get3A_827 = arith.constant 20 : index
    %get3A_828 = arith.constant 0 : index
    %get3A_829 = arith.constant 0 : index
    %get3A_830 = vector.load %arg3[%get3A_827, %get3A_828, %get3A_829] : memref<30x128x128xbf16, #tpu.memory_space<vmem>>, vector<1x128x128xbf16>
    %get3A_831 = vector.shape_cast %get3A_830 : vector<1x128x128xbf16> to vector<128x128xbf16>
    %dot_general3A_832 = arith.constant dense<0.000000e+00> : vector<512x128xf32>
    %dot_general3A_833 = tpu.matmul %convert_element_type3A_826, %get3A_831, %dot_general3A_832 {dimension_numbers = #tpu.dot_dimension_numbers<[1], [0], [0], [1], [0, 0, 1, 1], [], []>, transpose_lhs_hint = false} : vector<512x128xbf16>, vector<128x128xbf16>, vector<512x128xf32> -> vector<512x128xf32>
    %add3A_834 = arith.addf %add3A_795, %dot_general3A_833 : vector<512x128xf32>
    %get3A_835 = arith.constant 21 : index
    %get3A_836 = arith.constant 0 : index
    %get3A_837 = arith.constant 0 : index
    %get3A_838 = vector.load %arg1[%get3A_835, %get3A_836, %get3A_837] : memref<30x512x128xi32, #tpu.memory_space<vmem>>, vector<1x512x128xi32>
    %get3A_839 = vector.shape_cast %get3A_838 : vector<1x512x128xi32> to vector<512x128xi32>
    %get3A_840 = arith.constant 0 : index
    %get3A_841 = arith.constant 21 : index
    %get3A_842 = vector.load %arg2[%get3A_840, %get3A_841] : memref<512x30xi32, #tpu.memory_space<vmem>>, vector<512x1xi32>
    %shift_left3A_843 = arith.constant 16 : i32
    %shift_left3A_844 = vector.broadcast %shift_left3A_843 : i32 to vector<512x128xi32>
    %shift_left3A_845 = arith.shli %get3A_839, %shift_left3A_844 : vector<512x128xi32>
    %bitcast_convert_type3A_846 = tpu.bitcast %shift_left3A_845 : vector<512x128xi32> -> vector<512x128xf32>
    %and3A_847 = arith.constant -65536 : i32
    %and3A_848 = vector.broadcast %and3A_847 : i32 to vector<512x128xi32>
    %and3A_849 = arith.andi %get3A_839, %and3A_848 : vector<512x128xi32>
    %bitcast_convert_type3A_850 = tpu.bitcast %and3A_849 : vector<512x128xi32> -> vector<512x128xf32>
    %ge3A_851 = arith.constant 2 : i32
    %ge3A_852 = vector.broadcast %ge3A_851 : i32 to vector<512x1xi32>
    %ge3A_853 = arith.cmpi sge, %get3A_842, %ge3A_852 : vector<512x1xi32>
    %broadcast_in_dim3A_854 = vector.shape_cast %ge3A_853 : vector<512x1xi1> to vector<512x1xi1>
    %broadcast_in_dim3A_855 = vector.broadcast %broadcast_in_dim3A_854 : vector<512x1xi1> to vector<512x128xi1>
    %select_n3A_856 = arith.select %broadcast_in_dim3A_855, %bitcast_convert_type3A_850, %bitcast_convert_type3A_846 : vector<512x128xi1>, vector<512x128xf32>
    %and3A_857 = arith.constant 1 : i32
    %and3A_858 = vector.broadcast %and3A_857 : i32 to vector<512x1xi32>
    %and3A_859 = arith.andi %get3A_842, %and3A_858 : vector<512x1xi32>
    %eq3A_860 = vector.broadcast %and3A_859 : vector<512x1xi32> to vector<512x128xi32>
    %eq3A_861 = arith.cmpi eq, %select_n3A, %eq3A_860 : vector<512x128xi32>
    %jit3A_862 = arith.constant 0.000000e+00 : f32
    %broadcast_in_dim3A_863 = vector.broadcast %jit3A_862 : f32 to vector<512x128xf32>
    %select_n3A_864 = arith.select %eq3A_861, %select_n3A_856, %broadcast_in_dim3A_863 : vector<512x128xi1>, vector<512x128xf32>
    %convert_element_type3A_865 = arith.truncf %select_n3A_864 : vector<512x128xf32> to vector<512x128xbf16>
    %get3A_866 = arith.constant 21 : index
    %get3A_867 = arith.constant 0 : index
    %get3A_868 = arith.constant 0 : index
    %get3A_869 = vector.load %arg3[%get3A_866, %get3A_867, %get3A_868] : memref<30x128x128xbf16, #tpu.memory_space<vmem>>, vector<1x128x128xbf16>
    %get3A_870 = vector.shape_cast %get3A_869 : vector<1x128x128xbf16> to vector<128x128xbf16>
    %dot_general3A_871 = arith.constant dense<0.000000e+00> : vector<512x128xf32>
    %dot_general3A_872 = tpu.matmul %convert_element_type3A_865, %get3A_870, %dot_general3A_871 {dimension_numbers = #tpu.dot_dimension_numbers<[1], [0], [0], [1], [0, 0, 1, 1], [], []>, transpose_lhs_hint = false} : vector<512x128xbf16>, vector<128x128xbf16>, vector<512x128xf32> -> vector<512x128xf32>
    %add3A_873 = arith.addf %add3A_834, %dot_general3A_872 : vector<512x128xf32>
    %get3A_874 = arith.constant 22 : index
    %get3A_875 = arith.constant 0 : index
    %get3A_876 = arith.constant 0 : index
    %get3A_877 = vector.load %arg1[%get3A_874, %get3A_875, %get3A_876] : memref<30x512x128xi32, #tpu.memory_space<vmem>>, vector<1x512x128xi32>
    %get3A_878 = vector.shape_cast %get3A_877 : vector<1x512x128xi32> to vector<512x128xi32>
    %get3A_879 = arith.constant 0 : index
    %get3A_880 = arith.constant 22 : index
    %get3A_881 = vector.load %arg2[%get3A_879, %get3A_880] : memref<512x30xi32, #tpu.memory_space<vmem>>, vector<512x1xi32>
    %shift_left3A_882 = arith.constant 16 : i32
    %shift_left3A_883 = vector.broadcast %shift_left3A_882 : i32 to vector<512x128xi32>
    %shift_left3A_884 = arith.shli %get3A_878, %shift_left3A_883 : vector<512x128xi32>
    %bitcast_convert_type3A_885 = tpu.bitcast %shift_left3A_884 : vector<512x128xi32> -> vector<512x128xf32>
    %and3A_886 = arith.constant -65536 : i32
    %and3A_887 = vector.broadcast %and3A_886 : i32 to vector<512x128xi32>
    %and3A_888 = arith.andi %get3A_878, %and3A_887 : vector<512x128xi32>
    %bitcast_convert_type3A_889 = tpu.bitcast %and3A_888 : vector<512x128xi32> -> vector<512x128xf32>
    %ge3A_890 = arith.constant 2 : i32
    %ge3A_891 = vector.broadcast %ge3A_890 : i32 to vector<512x1xi32>
    %ge3A_892 = arith.cmpi sge, %get3A_881, %ge3A_891 : vector<512x1xi32>
    %broadcast_in_dim3A_893 = vector.shape_cast %ge3A_892 : vector<512x1xi1> to vector<512x1xi1>
    %broadcast_in_dim3A_894 = vector.broadcast %broadcast_in_dim3A_893 : vector<512x1xi1> to vector<512x128xi1>
    %select_n3A_895 = arith.select %broadcast_in_dim3A_894, %bitcast_convert_type3A_889, %bitcast_convert_type3A_885 : vector<512x128xi1>, vector<512x128xf32>
    %and3A_896 = arith.constant 1 : i32
    %and3A_897 = vector.broadcast %and3A_896 : i32 to vector<512x1xi32>
    %and3A_898 = arith.andi %get3A_881, %and3A_897 : vector<512x1xi32>
    %eq3A_899 = vector.broadcast %and3A_898 : vector<512x1xi32> to vector<512x128xi32>
    %eq3A_900 = arith.cmpi eq, %select_n3A, %eq3A_899 : vector<512x128xi32>
    %jit3A_901 = arith.constant 0.000000e+00 : f32
    %broadcast_in_dim3A_902 = vector.broadcast %jit3A_901 : f32 to vector<512x128xf32>
    %select_n3A_903 = arith.select %eq3A_900, %select_n3A_895, %broadcast_in_dim3A_902 : vector<512x128xi1>, vector<512x128xf32>
    %convert_element_type3A_904 = arith.truncf %select_n3A_903 : vector<512x128xf32> to vector<512x128xbf16>
    %get3A_905 = arith.constant 22 : index
    %get3A_906 = arith.constant 0 : index
    %get3A_907 = arith.constant 0 : index
    %get3A_908 = vector.load %arg3[%get3A_905, %get3A_906, %get3A_907] : memref<30x128x128xbf16, #tpu.memory_space<vmem>>, vector<1x128x128xbf16>
    %get3A_909 = vector.shape_cast %get3A_908 : vector<1x128x128xbf16> to vector<128x128xbf16>
    %dot_general3A_910 = arith.constant dense<0.000000e+00> : vector<512x128xf32>
    %dot_general3A_911 = tpu.matmul %convert_element_type3A_904, %get3A_909, %dot_general3A_910 {dimension_numbers = #tpu.dot_dimension_numbers<[1], [0], [0], [1], [0, 0, 1, 1], [], []>, transpose_lhs_hint = false} : vector<512x128xbf16>, vector<128x128xbf16>, vector<512x128xf32> -> vector<512x128xf32>
    %add3A_912 = arith.addf %add3A_873, %dot_general3A_911 : vector<512x128xf32>
    %get3A_913 = arith.constant 23 : index
    %get3A_914 = arith.constant 0 : index
    %get3A_915 = arith.constant 0 : index
    %get3A_916 = vector.load %arg1[%get3A_913, %get3A_914, %get3A_915] : memref<30x512x128xi32, #tpu.memory_space<vmem>>, vector<1x512x128xi32>
    %get3A_917 = vector.shape_cast %get3A_916 : vector<1x512x128xi32> to vector<512x128xi32>
    %get3A_918 = arith.constant 0 : index
    %get3A_919 = arith.constant 23 : index
    %get3A_920 = vector.load %arg2[%get3A_918, %get3A_919] : memref<512x30xi32, #tpu.memory_space<vmem>>, vector<512x1xi32>
    %shift_left3A_921 = arith.constant 16 : i32
    %shift_left3A_922 = vector.broadcast %shift_left3A_921 : i32 to vector<512x128xi32>
    %shift_left3A_923 = arith.shli %get3A_917, %shift_left3A_922 : vector<512x128xi32>
    %bitcast_convert_type3A_924 = tpu.bitcast %shift_left3A_923 : vector<512x128xi32> -> vector<512x128xf32>
    %and3A_925 = arith.constant -65536 : i32
    %and3A_926 = vector.broadcast %and3A_925 : i32 to vector<512x128xi32>
    %and3A_927 = arith.andi %get3A_917, %and3A_926 : vector<512x128xi32>
    %bitcast_convert_type3A_928 = tpu.bitcast %and3A_927 : vector<512x128xi32> -> vector<512x128xf32>
    %ge3A_929 = arith.constant 2 : i32
    %ge3A_930 = vector.broadcast %ge3A_929 : i32 to vector<512x1xi32>
    %ge3A_931 = arith.cmpi sge, %get3A_920, %ge3A_930 : vector<512x1xi32>
    %broadcast_in_dim3A_932 = vector.shape_cast %ge3A_931 : vector<512x1xi1> to vector<512x1xi1>
    %broadcast_in_dim3A_933 = vector.broadcast %broadcast_in_dim3A_932 : vector<512x1xi1> to vector<512x128xi1>
    %select_n3A_934 = arith.select %broadcast_in_dim3A_933, %bitcast_convert_type3A_928, %bitcast_convert_type3A_924 : vector<512x128xi1>, vector<512x128xf32>
    %and3A_935 = arith.constant 1 : i32
    %and3A_936 = vector.broadcast %and3A_935 : i32 to vector<512x1xi32>
    %and3A_937 = arith.andi %get3A_920, %and3A_936 : vector<512x1xi32>
    %eq3A_938 = vector.broadcast %and3A_937 : vector<512x1xi32> to vector<512x128xi32>
    %eq3A_939 = arith.cmpi eq, %select_n3A, %eq3A_938 : vector<512x128xi32>
    %jit3A_940 = arith.constant 0.000000e+00 : f32
    %broadcast_in_dim3A_941 = vector.broadcast %jit3A_940 : f32 to vector<512x128xf32>
    %select_n3A_942 = arith.select %eq3A_939, %select_n3A_934, %broadcast_in_dim3A_941 : vector<512x128xi1>, vector<512x128xf32>
    %convert_element_type3A_943 = arith.truncf %select_n3A_942 : vector<512x128xf32> to vector<512x128xbf16>
    %get3A_944 = arith.constant 23 : index
    %get3A_945 = arith.constant 0 : index
    %get3A_946 = arith.constant 0 : index
    %get3A_947 = vector.load %arg3[%get3A_944, %get3A_945, %get3A_946] : memref<30x128x128xbf16, #tpu.memory_space<vmem>>, vector<1x128x128xbf16>
    %get3A_948 = vector.shape_cast %get3A_947 : vector<1x128x128xbf16> to vector<128x128xbf16>
    %dot_general3A_949 = arith.constant dense<0.000000e+00> : vector<512x128xf32>
    %dot_general3A_950 = tpu.matmul %convert_element_type3A_943, %get3A_948, %dot_general3A_949 {dimension_numbers = #tpu.dot_dimension_numbers<[1], [0], [0], [1], [0, 0, 1, 1], [], []>, transpose_lhs_hint = false} : vector<512x128xbf16>, vector<128x128xbf16>, vector<512x128xf32> -> vector<512x128xf32>
    %add3A_951 = arith.addf %add3A_912, %dot_general3A_950 : vector<512x128xf32>
    %get3A_952 = arith.constant 24 : index
    %get3A_953 = arith.constant 0 : index
    %get3A_954 = arith.constant 0 : index
    %get3A_955 = vector.load %arg1[%get3A_952, %get3A_953, %get3A_954] : memref<30x512x128xi32, #tpu.memory_space<vmem>>, vector<1x512x128xi32>
    %get3A_956 = vector.shape_cast %get3A_955 : vector<1x512x128xi32> to vector<512x128xi32>
    %get3A_957 = arith.constant 0 : index
    %get3A_958 = arith.constant 24 : index
    %get3A_959 = vector.load %arg2[%get3A_957, %get3A_958] : memref<512x30xi32, #tpu.memory_space<vmem>>, vector<512x1xi32>
    %shift_left3A_960 = arith.constant 16 : i32
    %shift_left3A_961 = vector.broadcast %shift_left3A_960 : i32 to vector<512x128xi32>
    %shift_left3A_962 = arith.shli %get3A_956, %shift_left3A_961 : vector<512x128xi32>
    %bitcast_convert_type3A_963 = tpu.bitcast %shift_left3A_962 : vector<512x128xi32> -> vector<512x128xf32>
    %and3A_964 = arith.constant -65536 : i32
    %and3A_965 = vector.broadcast %and3A_964 : i32 to vector<512x128xi32>
    %and3A_966 = arith.andi %get3A_956, %and3A_965 : vector<512x128xi32>
    %bitcast_convert_type3A_967 = tpu.bitcast %and3A_966 : vector<512x128xi32> -> vector<512x128xf32>
    %ge3A_968 = arith.constant 2 : i32
    %ge3A_969 = vector.broadcast %ge3A_968 : i32 to vector<512x1xi32>
    %ge3A_970 = arith.cmpi sge, %get3A_959, %ge3A_969 : vector<512x1xi32>
    %broadcast_in_dim3A_971 = vector.shape_cast %ge3A_970 : vector<512x1xi1> to vector<512x1xi1>
    %broadcast_in_dim3A_972 = vector.broadcast %broadcast_in_dim3A_971 : vector<512x1xi1> to vector<512x128xi1>
    %select_n3A_973 = arith.select %broadcast_in_dim3A_972, %bitcast_convert_type3A_967, %bitcast_convert_type3A_963 : vector<512x128xi1>, vector<512x128xf32>
    %and3A_974 = arith.constant 1 : i32
    %and3A_975 = vector.broadcast %and3A_974 : i32 to vector<512x1xi32>
    %and3A_976 = arith.andi %get3A_959, %and3A_975 : vector<512x1xi32>
    %eq3A_977 = vector.broadcast %and3A_976 : vector<512x1xi32> to vector<512x128xi32>
    %eq3A_978 = arith.cmpi eq, %select_n3A, %eq3A_977 : vector<512x128xi32>
    %jit3A_979 = arith.constant 0.000000e+00 : f32
    %broadcast_in_dim3A_980 = vector.broadcast %jit3A_979 : f32 to vector<512x128xf32>
    %select_n3A_981 = arith.select %eq3A_978, %select_n3A_973, %broadcast_in_dim3A_980 : vector<512x128xi1>, vector<512x128xf32>
    %convert_element_type3A_982 = arith.truncf %select_n3A_981 : vector<512x128xf32> to vector<512x128xbf16>
    %get3A_983 = arith.constant 24 : index
    %get3A_984 = arith.constant 0 : index
    %get3A_985 = arith.constant 0 : index
    %get3A_986 = vector.load %arg3[%get3A_983, %get3A_984, %get3A_985] : memref<30x128x128xbf16, #tpu.memory_space<vmem>>, vector<1x128x128xbf16>
    %get3A_987 = vector.shape_cast %get3A_986 : vector<1x128x128xbf16> to vector<128x128xbf16>
    %dot_general3A_988 = arith.constant dense<0.000000e+00> : vector<512x128xf32>
    %dot_general3A_989 = tpu.matmul %convert_element_type3A_982, %get3A_987, %dot_general3A_988 {dimension_numbers = #tpu.dot_dimension_numbers<[1], [0], [0], [1], [0, 0, 1, 1], [], []>, transpose_lhs_hint = false} : vector<512x128xbf16>, vector<128x128xbf16>, vector<512x128xf32> -> vector<512x128xf32>
    %add3A_990 = arith.addf %add3A_951, %dot_general3A_989 : vector<512x128xf32>
    %get3A_991 = arith.constant 25 : index
    %get3A_992 = arith.constant 0 : index
    %get3A_993 = arith.constant 0 : index
    %get3A_994 = vector.load %arg1[%get3A_991, %get3A_992, %get3A_993] : memref<30x512x128xi32, #tpu.memory_space<vmem>>, vector<1x512x128xi32>
    %get3A_995 = vector.shape_cast %get3A_994 : vector<1x512x128xi32> to vector<512x128xi32>
    %get3A_996 = arith.constant 0 : index
    %get3A_997 = arith.constant 25 : index
    %get3A_998 = vector.load %arg2[%get3A_996, %get3A_997] : memref<512x30xi32, #tpu.memory_space<vmem>>, vector<512x1xi32>
    %shift_left3A_999 = arith.constant 16 : i32
    %shift_left3A_1000 = vector.broadcast %shift_left3A_999 : i32 to vector<512x128xi32>
    %shift_left3A_1001 = arith.shli %get3A_995, %shift_left3A_1000 : vector<512x128xi32>
    %bitcast_convert_type3A_1002 = tpu.bitcast %shift_left3A_1001 : vector<512x128xi32> -> vector<512x128xf32>
    %and3A_1003 = arith.constant -65536 : i32
    %and3A_1004 = vector.broadcast %and3A_1003 : i32 to vector<512x128xi32>
    %and3A_1005 = arith.andi %get3A_995, %and3A_1004 : vector<512x128xi32>
    %bitcast_convert_type3A_1006 = tpu.bitcast %and3A_1005 : vector<512x128xi32> -> vector<512x128xf32>
    %ge3A_1007 = arith.constant 2 : i32
    %ge3A_1008 = vector.broadcast %ge3A_1007 : i32 to vector<512x1xi32>
    %ge3A_1009 = arith.cmpi sge, %get3A_998, %ge3A_1008 : vector<512x1xi32>
    %broadcast_in_dim3A_1010 = vector.shape_cast %ge3A_1009 : vector<512x1xi1> to vector<512x1xi1>
    %broadcast_in_dim3A_1011 = vector.broadcast %broadcast_in_dim3A_1010 : vector<512x1xi1> to vector<512x128xi1>
    %select_n3A_1012 = arith.select %broadcast_in_dim3A_1011, %bitcast_convert_type3A_1006, %bitcast_convert_type3A_1002 : vector<512x128xi1>, vector<512x128xf32>
    %and3A_1013 = arith.constant 1 : i32
    %and3A_1014 = vector.broadcast %and3A_1013 : i32 to vector<512x1xi32>
    %and3A_1015 = arith.andi %get3A_998, %and3A_1014 : vector<512x1xi32>
    %eq3A_1016 = vector.broadcast %and3A_1015 : vector<512x1xi32> to vector<512x128xi32>
    %eq3A_1017 = arith.cmpi eq, %select_n3A, %eq3A_1016 : vector<512x128xi32>
    %jit3A_1018 = arith.constant 0.000000e+00 : f32
    %broadcast_in_dim3A_1019 = vector.broadcast %jit3A_1018 : f32 to vector<512x128xf32>
    %select_n3A_1020 = arith.select %eq3A_1017, %select_n3A_1012, %broadcast_in_dim3A_1019 : vector<512x128xi1>, vector<512x128xf32>
    %convert_element_type3A_1021 = arith.truncf %select_n3A_1020 : vector<512x128xf32> to vector<512x128xbf16>
    %get3A_1022 = arith.constant 25 : index
    %get3A_1023 = arith.constant 0 : index
    %get3A_1024 = arith.constant 0 : index
    %get3A_1025 = vector.load %arg3[%get3A_1022, %get3A_1023, %get3A_1024] : memref<30x128x128xbf16, #tpu.memory_space<vmem>>, vector<1x128x128xbf16>
    %get3A_1026 = vector.shape_cast %get3A_1025 : vector<1x128x128xbf16> to vector<128x128xbf16>
    %dot_general3A_1027 = arith.constant dense<0.000000e+00> : vector<512x128xf32>
    %dot_general3A_1028 = tpu.matmul %convert_element_type3A_1021, %get3A_1026, %dot_general3A_1027 {dimension_numbers = #tpu.dot_dimension_numbers<[1], [0], [0], [1], [0, 0, 1, 1], [], []>, transpose_lhs_hint = false} : vector<512x128xbf16>, vector<128x128xbf16>, vector<512x128xf32> -> vector<512x128xf32>
    %add3A_1029 = arith.addf %add3A_990, %dot_general3A_1028 : vector<512x128xf32>
    %get3A_1030 = arith.constant 26 : index
    %get3A_1031 = arith.constant 0 : index
    %get3A_1032 = arith.constant 0 : index
    %get3A_1033 = vector.load %arg1[%get3A_1030, %get3A_1031, %get3A_1032] : memref<30x512x128xi32, #tpu.memory_space<vmem>>, vector<1x512x128xi32>
    %get3A_1034 = vector.shape_cast %get3A_1033 : vector<1x512x128xi32> to vector<512x128xi32>
    %get3A_1035 = arith.constant 0 : index
    %get3A_1036 = arith.constant 26 : index
    %get3A_1037 = vector.load %arg2[%get3A_1035, %get3A_1036] : memref<512x30xi32, #tpu.memory_space<vmem>>, vector<512x1xi32>
    %shift_left3A_1038 = arith.constant 16 : i32
    %shift_left3A_1039 = vector.broadcast %shift_left3A_1038 : i32 to vector<512x128xi32>
    %shift_left3A_1040 = arith.shli %get3A_1034, %shift_left3A_1039 : vector<512x128xi32>
    %bitcast_convert_type3A_1041 = tpu.bitcast %shift_left3A_1040 : vector<512x128xi32> -> vector<512x128xf32>
    %and3A_1042 = arith.constant -65536 : i32
    %and3A_1043 = vector.broadcast %and3A_1042 : i32 to vector<512x128xi32>
    %and3A_1044 = arith.andi %get3A_1034, %and3A_1043 : vector<512x128xi32>
    %bitcast_convert_type3A_1045 = tpu.bitcast %and3A_1044 : vector<512x128xi32> -> vector<512x128xf32>
    %ge3A_1046 = arith.constant 2 : i32
    %ge3A_1047 = vector.broadcast %ge3A_1046 : i32 to vector<512x1xi32>
    %ge3A_1048 = arith.cmpi sge, %get3A_1037, %ge3A_1047 : vector<512x1xi32>
    %broadcast_in_dim3A_1049 = vector.shape_cast %ge3A_1048 : vector<512x1xi1> to vector<512x1xi1>
    %broadcast_in_dim3A_1050 = vector.broadcast %broadcast_in_dim3A_1049 : vector<512x1xi1> to vector<512x128xi1>
    %select_n3A_1051 = arith.select %broadcast_in_dim3A_1050, %bitcast_convert_type3A_1045, %bitcast_convert_type3A_1041 : vector<512x128xi1>, vector<512x128xf32>
    %and3A_1052 = arith.constant 1 : i32
    %and3A_1053 = vector.broadcast %and3A_1052 : i32 to vector<512x1xi32>
    %and3A_1054 = arith.andi %get3A_1037, %and3A_1053 : vector<512x1xi32>
    %eq3A_1055 = vector.broadcast %and3A_1054 : vector<512x1xi32> to vector<512x128xi32>
    %eq3A_1056 = arith.cmpi eq, %select_n3A, %eq3A_1055 : vector<512x128xi32>
    %jit3A_1057 = arith.constant 0.000000e+00 : f32
    %broadcast_in_dim3A_1058 = vector.broadcast %jit3A_1057 : f32 to vector<512x128xf32>
    %select_n3A_1059 = arith.select %eq3A_1056, %select_n3A_1051, %broadcast_in_dim3A_1058 : vector<512x128xi1>, vector<512x128xf32>
    %convert_element_type3A_1060 = arith.truncf %select_n3A_1059 : vector<512x128xf32> to vector<512x128xbf16>
    %get3A_1061 = arith.constant 26 : index
    %get3A_1062 = arith.constant 0 : index
    %get3A_1063 = arith.constant 0 : index
    %get3A_1064 = vector.load %arg3[%get3A_1061, %get3A_1062, %get3A_1063] : memref<30x128x128xbf16, #tpu.memory_space<vmem>>, vector<1x128x128xbf16>
    %get3A_1065 = vector.shape_cast %get3A_1064 : vector<1x128x128xbf16> to vector<128x128xbf16>
    %dot_general3A_1066 = arith.constant dense<0.000000e+00> : vector<512x128xf32>
    %dot_general3A_1067 = tpu.matmul %convert_element_type3A_1060, %get3A_1065, %dot_general3A_1066 {dimension_numbers = #tpu.dot_dimension_numbers<[1], [0], [0], [1], [0, 0, 1, 1], [], []>, transpose_lhs_hint = false} : vector<512x128xbf16>, vector<128x128xbf16>, vector<512x128xf32> -> vector<512x128xf32>
    %add3A_1068 = arith.addf %add3A_1029, %dot_general3A_1067 : vector<512x128xf32>
    %get3A_1069 = arith.constant 27 : index
    %get3A_1070 = arith.constant 0 : index
    %get3A_1071 = arith.constant 0 : index
    %get3A_1072 = vector.load %arg1[%get3A_1069, %get3A_1070, %get3A_1071] : memref<30x512x128xi32, #tpu.memory_space<vmem>>, vector<1x512x128xi32>
    %get3A_1073 = vector.shape_cast %get3A_1072 : vector<1x512x128xi32> to vector<512x128xi32>
    %get3A_1074 = arith.constant 0 : index
    %get3A_1075 = arith.constant 27 : index
    %get3A_1076 = vector.load %arg2[%get3A_1074, %get3A_1075] : memref<512x30xi32, #tpu.memory_space<vmem>>, vector<512x1xi32>
    %shift_left3A_1077 = arith.constant 16 : i32
    %shift_left3A_1078 = vector.broadcast %shift_left3A_1077 : i32 to vector<512x128xi32>
    %shift_left3A_1079 = arith.shli %get3A_1073, %shift_left3A_1078 : vector<512x128xi32>
    %bitcast_convert_type3A_1080 = tpu.bitcast %shift_left3A_1079 : vector<512x128xi32> -> vector<512x128xf32>
    %and3A_1081 = arith.constant -65536 : i32
    %and3A_1082 = vector.broadcast %and3A_1081 : i32 to vector<512x128xi32>
    %and3A_1083 = arith.andi %get3A_1073, %and3A_1082 : vector<512x128xi32>
    %bitcast_convert_type3A_1084 = tpu.bitcast %and3A_1083 : vector<512x128xi32> -> vector<512x128xf32>
    %ge3A_1085 = arith.constant 2 : i32
    %ge3A_1086 = vector.broadcast %ge3A_1085 : i32 to vector<512x1xi32>
    %ge3A_1087 = arith.cmpi sge, %get3A_1076, %ge3A_1086 : vector<512x1xi32>
    %broadcast_in_dim3A_1088 = vector.shape_cast %ge3A_1087 : vector<512x1xi1> to vector<512x1xi1>
    %broadcast_in_dim3A_1089 = vector.broadcast %broadcast_in_dim3A_1088 : vector<512x1xi1> to vector<512x128xi1>
    %select_n3A_1090 = arith.select %broadcast_in_dim3A_1089, %bitcast_convert_type3A_1084, %bitcast_convert_type3A_1080 : vector<512x128xi1>, vector<512x128xf32>
    %and3A_1091 = arith.constant 1 : i32
    %and3A_1092 = vector.broadcast %and3A_1091 : i32 to vector<512x1xi32>
    %and3A_1093 = arith.andi %get3A_1076, %and3A_1092 : vector<512x1xi32>
    %eq3A_1094 = vector.broadcast %and3A_1093 : vector<512x1xi32> to vector<512x128xi32>
    %eq3A_1095 = arith.cmpi eq, %select_n3A, %eq3A_1094 : vector<512x128xi32>
    %jit3A_1096 = arith.constant 0.000000e+00 : f32
    %broadcast_in_dim3A_1097 = vector.broadcast %jit3A_1096 : f32 to vector<512x128xf32>
    %select_n3A_1098 = arith.select %eq3A_1095, %select_n3A_1090, %broadcast_in_dim3A_1097 : vector<512x128xi1>, vector<512x128xf32>
    %convert_element_type3A_1099 = arith.truncf %select_n3A_1098 : vector<512x128xf32> to vector<512x128xbf16>
    %get3A_1100 = arith.constant 27 : index
    %get3A_1101 = arith.constant 0 : index
    %get3A_1102 = arith.constant 0 : index
    %get3A_1103 = vector.load %arg3[%get3A_1100, %get3A_1101, %get3A_1102] : memref<30x128x128xbf16, #tpu.memory_space<vmem>>, vector<1x128x128xbf16>
    %get3A_1104 = vector.shape_cast %get3A_1103 : vector<1x128x128xbf16> to vector<128x128xbf16>
    %dot_general3A_1105 = arith.constant dense<0.000000e+00> : vector<512x128xf32>
    %dot_general3A_1106 = tpu.matmul %convert_element_type3A_1099, %get3A_1104, %dot_general3A_1105 {dimension_numbers = #tpu.dot_dimension_numbers<[1], [0], [0], [1], [0, 0, 1, 1], [], []>, transpose_lhs_hint = false} : vector<512x128xbf16>, vector<128x128xbf16>, vector<512x128xf32> -> vector<512x128xf32>
    %add3A_1107 = arith.addf %add3A_1068, %dot_general3A_1106 : vector<512x128xf32>
    %get3A_1108 = arith.constant 28 : index
    %get3A_1109 = arith.constant 0 : index
    %get3A_1110 = arith.constant 0 : index
    %get3A_1111 = vector.load %arg1[%get3A_1108, %get3A_1109, %get3A_1110] : memref<30x512x128xi32, #tpu.memory_space<vmem>>, vector<1x512x128xi32>
    %get3A_1112 = vector.shape_cast %get3A_1111 : vector<1x512x128xi32> to vector<512x128xi32>
    %get3A_1113 = arith.constant 0 : index
    %get3A_1114 = arith.constant 28 : index
    %get3A_1115 = vector.load %arg2[%get3A_1113, %get3A_1114] : memref<512x30xi32, #tpu.memory_space<vmem>>, vector<512x1xi32>
    %shift_left3A_1116 = arith.constant 16 : i32
    %shift_left3A_1117 = vector.broadcast %shift_left3A_1116 : i32 to vector<512x128xi32>
    %shift_left3A_1118 = arith.shli %get3A_1112, %shift_left3A_1117 : vector<512x128xi32>
    %bitcast_convert_type3A_1119 = tpu.bitcast %shift_left3A_1118 : vector<512x128xi32> -> vector<512x128xf32>
    %and3A_1120 = arith.constant -65536 : i32
    %and3A_1121 = vector.broadcast %and3A_1120 : i32 to vector<512x128xi32>
    %and3A_1122 = arith.andi %get3A_1112, %and3A_1121 : vector<512x128xi32>
    %bitcast_convert_type3A_1123 = tpu.bitcast %and3A_1122 : vector<512x128xi32> -> vector<512x128xf32>
    %ge3A_1124 = arith.constant 2 : i32
    %ge3A_1125 = vector.broadcast %ge3A_1124 : i32 to vector<512x1xi32>
    %ge3A_1126 = arith.cmpi sge, %get3A_1115, %ge3A_1125 : vector<512x1xi32>
    %broadcast_in_dim3A_1127 = vector.shape_cast %ge3A_1126 : vector<512x1xi1> to vector<512x1xi1>
    %broadcast_in_dim3A_1128 = vector.broadcast %broadcast_in_dim3A_1127 : vector<512x1xi1> to vector<512x128xi1>
    %select_n3A_1129 = arith.select %broadcast_in_dim3A_1128, %bitcast_convert_type3A_1123, %bitcast_convert_type3A_1119 : vector<512x128xi1>, vector<512x128xf32>
    %and3A_1130 = arith.constant 1 : i32
    %and3A_1131 = vector.broadcast %and3A_1130 : i32 to vector<512x1xi32>
    %and3A_1132 = arith.andi %get3A_1115, %and3A_1131 : vector<512x1xi32>
    %eq3A_1133 = vector.broadcast %and3A_1132 : vector<512x1xi32> to vector<512x128xi32>
    %eq3A_1134 = arith.cmpi eq, %select_n3A, %eq3A_1133 : vector<512x128xi32>
    %jit3A_1135 = arith.constant 0.000000e+00 : f32
    %broadcast_in_dim3A_1136 = vector.broadcast %jit3A_1135 : f32 to vector<512x128xf32>
    %select_n3A_1137 = arith.select %eq3A_1134, %select_n3A_1129, %broadcast_in_dim3A_1136 : vector<512x128xi1>, vector<512x128xf32>
    %convert_element_type3A_1138 = arith.truncf %select_n3A_1137 : vector<512x128xf32> to vector<512x128xbf16>
    %get3A_1139 = arith.constant 28 : index
    %get3A_1140 = arith.constant 0 : index
    %get3A_1141 = arith.constant 0 : index
    %get3A_1142 = vector.load %arg3[%get3A_1139, %get3A_1140, %get3A_1141] : memref<30x128x128xbf16, #tpu.memory_space<vmem>>, vector<1x128x128xbf16>
    %get3A_1143 = vector.shape_cast %get3A_1142 : vector<1x128x128xbf16> to vector<128x128xbf16>
    %dot_general3A_1144 = arith.constant dense<0.000000e+00> : vector<512x128xf32>
    %dot_general3A_1145 = tpu.matmul %convert_element_type3A_1138, %get3A_1143, %dot_general3A_1144 {dimension_numbers = #tpu.dot_dimension_numbers<[1], [0], [0], [1], [0, 0, 1, 1], [], []>, transpose_lhs_hint = false} : vector<512x128xbf16>, vector<128x128xbf16>, vector<512x128xf32> -> vector<512x128xf32>
    %add3A_1146 = arith.addf %add3A_1107, %dot_general3A_1145 : vector<512x128xf32>
    %get3A_1147 = arith.constant 29 : index
    %get3A_1148 = arith.constant 0 : index
    %get3A_1149 = arith.constant 0 : index
    %get3A_1150 = vector.load %arg1[%get3A_1147, %get3A_1148, %get3A_1149] : memref<30x512x128xi32, #tpu.memory_space<vmem>>, vector<1x512x128xi32>
    %get3A_1151 = vector.shape_cast %get3A_1150 : vector<1x512x128xi32> to vector<512x128xi32>
    %get3A_1152 = arith.constant 0 : index
    %get3A_1153 = arith.constant 29 : index
    %get3A_1154 = vector.load %arg2[%get3A_1152, %get3A_1153] : memref<512x30xi32, #tpu.memory_space<vmem>>, vector<512x1xi32>
    %shift_left3A_1155 = arith.constant 16 : i32
    %shift_left3A_1156 = vector.broadcast %shift_left3A_1155 : i32 to vector<512x128xi32>
    %shift_left3A_1157 = arith.shli %get3A_1151, %shift_left3A_1156 : vector<512x128xi32>
    %bitcast_convert_type3A_1158 = tpu.bitcast %shift_left3A_1157 : vector<512x128xi32> -> vector<512x128xf32>
    %and3A_1159 = arith.constant -65536 : i32
    %and3A_1160 = vector.broadcast %and3A_1159 : i32 to vector<512x128xi32>
    %and3A_1161 = arith.andi %get3A_1151, %and3A_1160 : vector<512x128xi32>
    %bitcast_convert_type3A_1162 = tpu.bitcast %and3A_1161 : vector<512x128xi32> -> vector<512x128xf32>
    %ge3A_1163 = arith.constant 2 : i32
    %ge3A_1164 = vector.broadcast %ge3A_1163 : i32 to vector<512x1xi32>
    %ge3A_1165 = arith.cmpi sge, %get3A_1154, %ge3A_1164 : vector<512x1xi32>
    %broadcast_in_dim3A_1166 = vector.shape_cast %ge3A_1165 : vector<512x1xi1> to vector<512x1xi1>
    %broadcast_in_dim3A_1167 = vector.broadcast %broadcast_in_dim3A_1166 : vector<512x1xi1> to vector<512x128xi1>
    %select_n3A_1168 = arith.select %broadcast_in_dim3A_1167, %bitcast_convert_type3A_1162, %bitcast_convert_type3A_1158 : vector<512x128xi1>, vector<512x128xf32>
    %and3A_1169 = arith.constant 1 : i32
    %and3A_1170 = vector.broadcast %and3A_1169 : i32 to vector<512x1xi32>
    %and3A_1171 = arith.andi %get3A_1154, %and3A_1170 : vector<512x1xi32>
    %eq3A_1172 = vector.broadcast %and3A_1171 : vector<512x1xi32> to vector<512x128xi32>
    %eq3A_1173 = arith.cmpi eq, %select_n3A, %eq3A_1172 : vector<512x128xi32>
    %jit3A_1174 = arith.constant 0.000000e+00 : f32
    %broadcast_in_dim3A_1175 = vector.broadcast %jit3A_1174 : f32 to vector<512x128xf32>
    %select_n3A_1176 = arith.select %eq3A_1173, %select_n3A_1168, %broadcast_in_dim3A_1175 : vector<512x128xi1>, vector<512x128xf32>
    %convert_element_type3A_1177 = arith.truncf %select_n3A_1176 : vector<512x128xf32> to vector<512x128xbf16>
    %get3A_1178 = arith.constant 29 : index
    %get3A_1179 = arith.constant 0 : index
    %get3A_1180 = arith.constant 0 : index
    %get3A_1181 = vector.load %arg3[%get3A_1178, %get3A_1179, %get3A_1180] : memref<30x128x128xbf16, #tpu.memory_space<vmem>>, vector<1x128x128xbf16>
    %get3A_1182 = vector.shape_cast %get3A_1181 : vector<1x128x128xbf16> to vector<128x128xbf16>
    %dot_general3A_1183 = arith.constant dense<0.000000e+00> : vector<512x128xf32>
    %dot_general3A_1184 = tpu.matmul %convert_element_type3A_1177, %get3A_1182, %dot_general3A_1183 {dimension_numbers = #tpu.dot_dimension_numbers<[1], [0], [0], [1], [0, 0, 1, 1], [], []>, transpose_lhs_hint = false} : vector<512x128xbf16>, vector<128x128xbf16>, vector<512x128xf32> -> vector<512x128xf32>
    %add3A_1185 = arith.addf %add3A_1146, %dot_general3A_1184 : vector<512x128xf32>
    %get3A_1186 = arith.constant 0 : index
    %get3A_1187 = arith.constant 0 : index
    %get3A_1188 = vector.load %arg4[%get3A_1186, %get3A_1187] : memref<1x128xf32, #tpu.memory_space<vmem>>, vector<1x128xf32>
    %add3A_1189 = vector.broadcast %get3A_1188 : vector<1x128xf32> to vector<512x128xf32>
    %add3A_1190 = arith.addf %add3A_1185, %add3A_1189 : vector<512x128xf32>
    %tanh3A = math.tanh %add3A_1190 : vector<512x128xf32>
    %convert_element_type3A_1191 = arith.truncf %tanh3A : vector<512x128xf32> to vector<512x128xbf16>
    %get3A_1192 = arith.constant 0 : index
    %get3A_1193 = arith.constant 0 : index
    %get3A_1194 = vector.load %arg5[%get3A_1192, %get3A_1193] : memref<128x64xbf16, #tpu.memory_space<vmem>>, vector<128x64xbf16>
    %dot_general3A_1195 = arith.constant dense<0.000000e+00> : vector<512x64xf32>
    %dot_general3A_1196 = tpu.matmul %convert_element_type3A_1191, %get3A_1194, %dot_general3A_1195 {dimension_numbers = #tpu.dot_dimension_numbers<[1], [0], [0], [1], [0, 0, 1, 1], [], []>, transpose_lhs_hint = false} : vector<512x128xbf16>, vector<128x64xbf16>, vector<512x64xf32> -> vector<512x64xf32>
    %get3A_1197 = arith.constant 0 : index
    %get3A_1198 = arith.constant 0 : index
    %get3A_1199 = vector.load %arg6[%get3A_1197, %get3A_1198] : memref<1x64xf32, #tpu.memory_space<vmem>>, vector<1x64xf32>
    %add3A_1200 = vector.broadcast %get3A_1199 : vector<1x64xf32> to vector<512x64xf32>
    %add3A_1201 = arith.addf %dot_general3A_1196, %add3A_1200 : vector<512x64xf32>
    %tanh3A_1202 = math.tanh %add3A_1201 : vector<512x64xf32>
    %convert_element_type3A_1203 = arith.truncf %tanh3A_1202 : vector<512x64xf32> to vector<512x64xbf16>
    %get3A_1204 = arith.constant 0 : index
    %get3A_1205 = arith.constant 0 : index
    %get3A_1206 = vector.load %arg7[%get3A_1204, %get3A_1205] : memref<64x128xbf16, #tpu.memory_space<vmem>>, vector<64x128xbf16>
    %dot_general3A_1207 = arith.constant dense<0.000000e+00> : vector<512x128xf32>
    %dot_general3A_1208 = tpu.matmul %convert_element_type3A_1203, %get3A_1206, %dot_general3A_1207 {dimension_numbers = #tpu.dot_dimension_numbers<[1], [0], [0], [1], [0, 0, 1, 1], [], []>, transpose_lhs_hint = false} : vector<512x64xbf16>, vector<64x128xbf16>, vector<512x128xf32> -> vector<512x128xf32>
    %get3A_1209 = arith.constant 0 : index
    %get3A_1210 = arith.constant 0 : index
    %get3A_1211 = vector.load %arg8[%get3A_1209, %get3A_1210] : memref<1x128xf32, #tpu.memory_space<vmem>>, vector<1x128xf32>
    %add3A_1212 = vector.broadcast %get3A_1211 : vector<1x128xf32> to vector<512x128xf32>
    %add3A_1213 = arith.addf %dot_general3A_1208, %add3A_1212 : vector<512x128xf32>
    %swap3A = arith.constant 0 : index
    %swap3A_1214 = arith.constant 0 : index
    %swap3A_1215 = vector.load %arg9[%swap3A, %swap3A_1214] : memref<512x128xf32, #tpu.memory_space<vmem>>, vector<512x128xf32>
    tpu.vector_store %arg9[%swap3A, %swap3A_1214], %add3A_1213 {strides = array<i32>} : memref<512x128xf32, #tpu.memory_space<vmem>>, vector<512x128xf32>,
    return
  }
  func.func @transform_0(%arg0: i32) -> (i32, i32, i32) {
    %c0_i32 = arith.constant 0 : i32
    %c0_i32_0 = arith.constant 0 : i32
    %c0_i32_1 = arith.constant 0 : i32
    return %c0_i32, %arg0, %c0_i32_0 : i32, i32, i32
  }
  func.func @transform_1(%arg0: i32) -> (i32, i32) {
    %c0_i32 = arith.constant 0 : i32
    %c0_i32_0 = arith.constant 0 : i32
    return %arg0, %c0_i32 : i32, i32
  }
  func.func @transform_2(%arg0: i32) -> (i32, i32, i32) {
    %c0_i32 = arith.constant 0 : i32
    %c0_i32_0 = arith.constant 0 : i32
    %c0_i32_1 = arith.constant 0 : i32
    %c0_i32_2 = arith.constant 0 : i32
    return %c0_i32, %c0_i32_0, %c0_i32_1 : i32, i32, i32
  }
  func.func @transform_3(%arg0: i32) -> (i32, i32) {
    %c0_i32 = arith.constant 0 : i32
    %c0_i32_0 = arith.constant 0 : i32
    %c0_i32_1 = arith.constant 0 : i32
    return %c0_i32, %c0_i32_0 : i32, i32
  }
  func.func @transform_4(%arg0: i32) -> (i32, i32) {
    %c0_i32 = arith.constant 0 : i32
    %c0_i32_0 = arith.constant 0 : i32
    %c0_i32_1 = arith.constant 0 : i32
    return %c0_i32, %c0_i32_0 : i32, i32
  }
  func.func @transform_5(%arg0: i32) -> (i32, i32) {
    %c0_i32 = arith.constant 0 : i32
    %c0_i32_0 = arith.constant 0 : i32
    %c0_i32_1 = arith.constant 0 : i32
    return %c0_i32, %c0_i32_0 : i32, i32
  }
  func.func @transform_6(%arg0: i32) -> (i32, i32) {
    %c0_i32 = arith.constant 0 : i32
    %c0_i32_0 = arith.constant 0 : i32
    %c0_i32_1 = arith.constant 0 : i32
    return %c0_i32, %c0_i32_0 : i32, i32
  }
  func.func @transform_7(%arg0: i32) -> (i32, i32) {
    %c0_i32 = arith.constant 0 : i32
    %c0_i32_0 = arith.constant 0 : i32
    %c0_i32_1 = arith.constant 0 : i32
    return %c0_i32, %c0_i32_0 : i32, i32
  }
  func.func @transform_8(%arg0: i32) -> (i32, i32) {
    %c0_i32 = arith.constant 0 : i32
    %c0_i32_0 = arith.constant 0 : i32
    return %arg0, %c0_i32 : i32, i32
  }
}

</mosaic_0001>

<sc_bundles>
// kernel: kernel.5.cloned.1.call-start
scs
__scs_entry_jumppad:
0x0: {  	(pc) =	sbr.rel $0x88, $3  }
0x1: {  	(tag) =	ssettag $0x0;
	lr =	simm.s32 $0x1  }
0x2: {  	[smem:$0x3F97] =	sst lr;
	_ =	strace $0xD0000000  }
0x3: {  	_ = 	snop  }
0x4: {  	_ = 	snop  }
0x5: {  	_ = 	snop  }
0x6: {  	_ = 	snop  }
0x7: {  	_ = 	snop  }
__scs_overlays_trampoline_lowered:
0x8: {  	[smem:$0x3FA6] =	sst s0  }
0x9: {  	[smem:$0x3FA7] =	sst s1  }
0xa: {  	[smem:$0x3FA8] =	sst s2  }
0xb: {  	[smem:$0x3FA9] =	sst s3  }
0xc: {  	[smem:$0x3FAA] =	sst s4  }
0xd: {  	[smem:$0x3FAB] =	sst s5  }
0xe: {  	[smem:$0x3FAC] =	sst s6  }
0xf: {  	[smem:$0x3FAD] =	sst s7  }
0x10: {  	[smem:$0x3FAE] =	sst s8  }
0x11: {  	[smem:$0x3FAF] =	sst s9;
	s0 =	simm.s32 @!p0 $0x0  }
0x12: {  	s1 =	sld [smem:$0x3F95];
	s0 =	simm.s32 @p0 $0x1  }
0x13: {  	[smem:$0x3FB0] =	sst s0;
	s0 =	simm.s32 @!p1 $0x0  }
0x14: {  	s2 =	sld [smem:$0x3F94];
	s0 =	simm.s32 @p1 $0x1  }
0x15: {  	[smem:$0x3FB1] =	sst s0;
	s0 =	simm.s32 @!p2 $0x0  }
0x16: {  	s3 =	sld [smem:$0x3FDB];
	s0 =	simm.s32 @p2 $0x1  }
0x17: {  	s4 =	simm.s32 $0x1BF5;
	[smem:$0x3FB3] =	sst s0  }
0x18: {  	s0 =	sld [smem:$0x3F96];
	_ =	swait.ge [sflag:s4], $0x0  }
0x19: {  	s7 =	sld [smem:$0x3F97]  }
0x1a: {  	s8 =	sadd.s32 $0xFFFFE003, lr  }
0x1b: {  	s9 =	sadd.s32 $0xFFFFFEF7, lr;
	s5 =	simm.s32 $0xFFFFFFFF;
	p2 =	slt.u32 s8, $0xFFFFF086  }
0x1c: {  	p1 =	slt.u32 s9, $0xF7A;
	s5 =	simm.s32 @!p2 $0x0  }
0x1d: {  	s5 =	simm.s32 @p1 $0x1;
	p0 =	seq.s32 s7, s2  }
0x1e: {  	s7 =	smul.u32 @!p0 $0xF7A, s2;
	p2 =	seq.s32 @!p0 s5, $0x0  }
0x1f: {  	s9 =	smul.u32 $0xF7A, s1;
	s8 =	simm.s32 @!p0 $0x1BF5;
	p2 =	por !p2, p0  }
0x20: {  	[sflag:s8] =	ssyncset.s32 @!p0 $0xFFFFF086;
	s6 =	sadd.s32 @!p0 s3, s7;
	s7 =	simm.s32 @!p0 $0x108  }
0x21: {  	s3 =	sadd.s32 s3, s9;
	s6 =	sadd.s32 @!p0 $0x88, s6;
	s7 =	simm.s32 @p2 $0x1082  }
0x22: {  	[simem:s7], [sflag:s8] =	dma.local @!p0 [hbm:s6], $0xF7A  }
0x23: {  	s9 =	sor.u32 $0xD0000000, s2;
	s6 =	simm.s32 $0x108;
	_ =	swait.ge @!p0 [sflag:s8], $0x0  }
0x24: {  	s3 =	sadd.s32 $0x88, s3;
	s6 =	simm.s32 @!p1 $0x1082;
	[sflag:s4] =	ssyncset.s32 $0xFFFFF086  }
0x25: {  	[simem:s6], [sflag:s4] =	dma.local [hbm:s3], $0xF7A  }
0x26: {  	[smem:$0x3F97] =	sst s1;
	(tag) =	ssettag s2;
	_ =	strace s9  }
0x27: {  	s1 =	sld [smem:$0x3FA7]  }
0x28: {  	s2 =	sld [smem:$0x3FA8]  }
0x29: {  	s4 =	sld [smem:$0x3FAA]  }
0x2a: {  	p0 =	seq.s32 s5, $0x0;
	s5 =	sld [smem:$0x3FAB]  }
0x2b: {  	s6 =	sld [smem:$0x3FAC]  }
0x2c: {  	s7 =	sld [smem:$0x3FAD]  }
0x2d: {  	s3 =	simm.s32 $0x108;
	s8 =	sld [smem:$0x3FAE]  }
0x2e: {  	s3 =	simm.s32 @!p0 $0x1082;
	s9 =	sld [smem:$0x3FAF]  }
0x2f: {  	lr =	sadd.s32 s0, s3;
	s0 =	sld [smem:$0x3FA6]  }
0x30: {  	s3 =	sld [smem:$0x3FA9]  }
0x31: {  	[smem:$0x3FB2] =	sst s10  }
0x32: {  	s10 =	sld [smem:$0x3FB0];
	_ =	sdelay $0x3  }
0x33: {  	p0 =	seq.s32 s10, $0x1;
	s10 =	sld [smem:$0x3FB2];
	_ =	sdelay $0x3  }
0x34: {  	[smem:$0x3FB2] =	sst s10  }
0x35: {  	s10 =	sld [smem:$0x3FB1];
	_ =	sdelay $0x3  }
0x36: {  	p1 =	seq.s32 s10, $0x1;
	s10 =	sld [smem:$0x3FB2];
	_ =	sdelay $0x3  }
0x37: {  	[smem:$0x3FB2] =	sst s10  }
0x38: {  	s10 =	sld [smem:$0x3FB3]  }
0x39: {  	_ = 	snop;
	(pc) =	sbr.ind lr, $3  }
0x3a: {  	_ = 	snop  }
0x3b: {  	_ = 	snop  }
0x3c: {  	p2 =	seq.s32 s10, $0x1;
	s10 =	sld [smem:$0x3FB2]  }
0x3d: {  	_ =	shalt  }
0x3e: {  	_ =	shalt  }
0x3f: {  	_ =	shalt  }
0x40: {  	_ =	shalt  }
0x41: {  	_ =	shalt  }
0x42: {  	_ =	shalt  }
0x43: {  	_ =	shalt  }
0x44: {  	_ =	shalt  }
0x45: {  	_ =	shalt  }
0x46: {  	_ =	shalt  }
0x47: {  	_ =	shalt  }
0x48: {  	_ =	shalt  }
0x49: {  	_ =	shalt  }
0x4a: {  	_ =	shalt  }
0x4b: {  	_ =	shalt  }
0x4c: {  	_ =	shalt  }
0x4d: {  	_ =	shalt  }
0x4e: {  	_ =	shalt  }
0x4f: {  	_ =	shalt  }
0x50: {  	_ =	shalt  }
0x51: {  	_ =	shalt  }
0x52: {  	_ =	shalt  }
0x53: {  	_ =	shalt  }
0x54: {  	_ =	shalt  }
0x55: {  	_ =	shalt  }
0x56: {  	_ =	shalt  }
0x57: {  	_ =	shalt  }
0x58: {  	_ =	shalt  }
0x59: {  	_ =	shalt  }
0x5a: {  	_ =	shalt  }
0x5b: {  	_ =	shalt  }
0x5c: {  	_ =	shalt  }
0x5d: {  	_ =	shalt  }
0x5e: {  	_ =	shalt  }
0x5f: {  	_ =	shalt  }
0x60: {  	_ =	shalt  }
0x61: {  	_ =	shalt  }
0x62: {  	_ =	shalt  }
0x63: {  	_ =	shalt  }
0x64: {  	_ =	shalt  }
0x65: {  	_ =	shalt  }
0x66: {  	_ =	shalt  }
0x67: {  	_ =	shalt  }
0x68: {  	_ =	shalt  }
0x69: {  	_ =	shalt  }
0x6a: {  	_ =	shalt  }
0x6b: {  	_ =	shalt  }
0x6c: {  	_ =	shalt  }
0x6d: {  	_ =	shalt  }
0x6e: {  	_ =	shalt  }
0x6f: {  	_ =	shalt  }
0x70: {  	_ =	shalt  }
0x71: {  	_ =	shalt  }
0x72: {  	_ =	shalt  }
0x73: {  	_ =	shalt  }
0x74: {  	_ =	shalt  }
0x75: {  	_ =	shalt  }
0x76: {  	_ =	shalt  }
0x77: {  	_ =	shalt  }
0x78: {  	_ =	shalt  }
0x79: {  	_ =	shalt  }
0x7a: {  	_ =	shalt  }
0x7b: {  	_ =	shalt  }
0x7c: {  	_ =	shalt  }
0x7d: {  	_ =	shalt  }
0x7e: {  	_ =	shalt  }
0x7f: {  	_ =	shalt  }
0x80: {  	_ =	shalt  }
0x81: {  	_ =	shalt  }
0x82: {  	_ =	shalt  }
0x83: {  	_ =	shalt  }
0x84: {  	_ =	shalt  }
0x85: {  	_ =	shalt  }
0x86: {  	_ =	shalt  }
0x87: {  	_ =	shalt  }
.Lfunc_end0:
.L_simem_size_0:
called_computation_lowered:
.L_overlay_start_0:
0x88: {  	s2 =	sld [smem:$0x3FD9]  }
0x89: {  	s3 =	sld [smem:$0x3FFE];
	_ =	sdelay $0x1  }
0x8a: {  	s1 =	srdreg.scid  }
0x8b: {  	s0 =	sand.u32 $0x1, s1  }
0x8c: {  	s16 =	sshll.u32 s0, $0xA;
	s2 =	sadd.s32 s3, s2  }
0x8d: {  	s2 =	sadd.s32 s2, s16  }
0x8e: {  	[smem:$0x3FBE] =	sst s2  }
0x8f: {  	_ = 	snop  }
0x90: {  	(tm) =	ssettm $0x1  }
0x91: {  	s17 =	sld [smem:$0x3FFB];
	_ =	sdelay $0x3  }
0x92: {  	_ =	strace s17  }
0x93: {  	s2 =	sld [smem:$0x3FFC];
	_ =	sdelay $0x3  }
0x94: {  	_ =	strace s2  }
0x95: {  	s2 =	sld [smem:$0x3FFD];
	_ =	sdelay $0x3  }
0x96: {  	_ =	strace s2  }
0x97: {  	_ =	strace $0x8FFFFFFF  }
0x98: {  	s18 =	sld [smem:$0x3FDB];
	_ =	sdelay $0x1  }
0x99: {  	s19 =	simm.s32 $_scs_section_size  }
0x9a: {  	s4 =	simm.s32 $_size__tile_overlayer_lowered;
	s5 =	simm.s32 $_tile_overlayer_lowered  }
0x9b: {  	s22 =	simm.s32 $0x1BFF;
	s21 =	sshll.u32 s5, $0x1;
	s2 =	sadd.s32 s19, s18  }
0x9c: {  	s6 =	simm.s32 $0x0;
	s20 =	sshll.u32 s4, $0x1;
	s4 =	sadd.s32 s21, s2  }
0x9d: {  	[timem:s6], [sflag:s22] =	dma.local [hbm:s4], s20  }
0x9e: {  	_ =	swait.ge [sflag:s22], s20  }
0x9f: {  	s3 =	ssub.s32 $0x0, s20;
	[sflag:s22] =	ssyncset.done $0x0  }
0xa0: {  	[sflag:s22] =	ssyncadd.s32 s3;
	_ =	sdelay $0x1  }
0xa1: {  	s23 =	simm.s32 $0x1B8B  }
0xa2: {  	_ =	swait.ge [sflag:s23], $0x1  }
0xa3: {  	[sflag:s23] =	ssyncset.done $0x0  }
0xa4: {  	s25 =	simm.s32 $0x1B8E;
	s24 =	sld [smem:$0x3FFE];
	[sflag:s23] =	ssyncadd.s32 $0xFFFFFFFF  }
0xa5: {  	s26 =	simm.s32 $execute0_lowered;
	[smem:$0x3FD2] =	sst s25  }
0xa6: {  	s4 =	sshll.u32 s26, $0x1;
	_ =	strace $0x80000046;
	[dreg:$0x1] =	wrdreg $0xFFFFFFFF  }
0xa7: {  	s28 =	simm.s32 $_size_execute0_lowered;
	s2 =	sadd.s32 s2, s4;
	[dreg:$0x0] =	wrdreg $0x0  }
0xa8: {  	s4 =	sshll.u32 s28, $0x1;
	[dreg:$0x2] =	wrdreg s2  }
0xa9: {  	[dreg:$0x3] =	wrdreg s4  }
0xaa: {  	[dreg:$0x4] =	wrdreg $0xC0  }
0xab: {  	_ =	task [dreg:s6], $0x5FFFF  }
0xac: {  	[dreg:$0x1] =	wrdreg $0xFFFFFFFF  }
0xad: {  	[dreg:$0x0] =	wrdreg $0x60  }
0xae: {  	[dreg:$0x2] =	wrdreg s24  }
0xaf: {  	[dreg:$0x3] =	wrdreg $0x9  }
0xb0: {  	_ =	task.clear_ibuf [dreg:s6], $0x4FFFF;
	_ =	strace $0x90000046  }
0xb1: {  	s29 =	simm.s32 $0x9;
	_ =	strace $0x80000048  }
0xb2: {  	_ =	swait.ge [sflag:s29], $0x1  }
0xb3: {  	[sflag:s29] =	ssyncadd.s32 $0xFFFFFFFF  }
0xb4: {  	_ =	strace $0x90000048  }
0xb5: {  	_ =	sfence  }
0xb6: {  	s30 =	sld [smem:$0x0];
	_ =	sdelay $0x2  }
0xb7: {  	s31 =	sshll.u32 s1, $0xD;
	s1 =	sshrl.u32 s1, $0x2  }
0xb8: {  	s3 =	sand.u32 $0x4000, s31;
	s1 =	sadd.s32 s1, s30  }
0xb9: {  	s0 =	sor.u32 s3, s0;
	s1 =	sshll.u32 s1, $0x11  }
0xba: {  	s0 =	sor.u32 s1, s0  }
0xbb: {  	s0 =	sadd.s32 $0x8F2B, s0  }
0xbc: {  	[sflag:s0] =	ssyncadd.remote.s32 $0x1  }
0xbd: {  	_ =	sfence.sel $0xFFFF  }
0xbe: {  	[dreg:$0x0] =	wrdreg $0xFFFFFFFF;
	(pc) =	sbr.abs _section_cstart, $3  }
0xbf: {  	[dreg:$0x1] =	wrdreg $0xFFFFFFFF  }
0xc0: {  	_ =	task.clear_ibuf [dreg:s6], $0x2FFFF;
	_ =	strace $0x9FFFFFFF  }
0xc1: {  	(tm) =	ssettm $0x7FFFFFFF  }
tec
execute0_lowered:
.L_overlay_start_1:
0x0: {  	(tag) =	ssettag $0x1  }
0x1: {  	s4 =	rddreg [dreg:$0x0]  }
0x2: {  	s0 =	rddreg [dreg:$0x1];
	s2 =	simm.s32 $0x0;
	s1 =	stileid.u32  }
0x3: {  	s3 =	srdreg.scid;
	s10 =	simm.s32 $0x0;
	s6 =	smul.u32 $0x7800, s1  }
0x4: {  	[smem:$0x7FF] =	sst s2;
	s5 =	sand.u32 $0x1, s3;
	s8 =	smul.u32 $0x78000, s1  }
0x5: {  	s3 =	sadd.s32 $0x10000, s4;
	s7 =	smul.u32 $0x3C00, s5;
	s9 =	ssub.s32 $0x2, s5  }
0x6: {  	_ =	strace $0x80000047;
	s5 =	smul.u32 $0x3C000, s5;
	s31 =	sshrl.u32 s9, $0x1  }
0x7: {  	s8 =	sadd.s32 s8, s4;
	s6 =	sadd.s32 s7, s6;
	s7 =	ssub.s32 s9, s31  }
0x8: {  	s5 =	sadd.s32 s5, s8;
	s8 =	simm.s32 $0x200;
	s6 =	sshrl.u32 s6, $0x3  }
0x9: {  	s9 =	simm.s32 $0x1;
	s5 =	sadd.s32 $0x3F0000, s5;
	s6 =	sadd.s32 s6, s4  }
0xa: {  	s4 =	smax.u32 s7, $0x1;
	s7 =	simm.s32 $0x2;
	s6 =	sadd.s32 $0x1000, s6  }
.LBB2_1:
0xb: {  	s11 =	sadd.s32 $0x0, s6  }
0xc: {  	[tilespmem:s2], [sflag:$0x2] =	stream.linear.gather [hbm4b:s11+s2], $0x200, $0x38;
	[tilespmem:$0x10200] =	vst v63  }
0xd: {  	_ =	swait.ge [sflag:s7], $0x200  }
0xe: {  	[sflag:s7] =	ssyncset.done $0x0  }
0xf: {  	[sflag:s7] =	ssyncadd.s32 $0xFFFFFE00  }
0x10: {  	[tilespmem:s8], [sflag:$0x1] =	stream.indirect.gather [hbm4b:s3+s8], $0x80, s2, s8, $0xb8;
	[tilespmem:$0x10200] =	vst v63  }
0x11: {  	_ =	swait.ge [sflag:s9], $0x10000  }
0x12: {  	[sflag:s9] =	ssyncset.done $0x0  }
0x13: {  	[sflag:s9] =	ssyncadd.s32 $0xFFFF0000  }
0x14: {  	[hbm4b:s5+s2] =	stream.linear.scatter [tilespmem:s8], [sflag:$0x2], $0x10000, $0x38;
	[tilespmem:$0x10200] =	vst v63  }
0x15: {  	s12 =	simm.s32 $0x40;
	_ =	swait.ge [sflag:s7], $0x10000  }
0x16: {  	s13 =	simm.s32 $0x80;
	s11 =	sadd.s32 $0x2000, s5;
	[sflag:s7] =	ssyncset.done $0x0  }
.LBB2_2:
0x17: {  	s14 =	sadd.s32 s12, s6  }
0x18: {  	[sflag:s7] =	ssyncadd.s32 $0xFFFF0000;
	s12 =	smov.u32 s13;
	s15 =	sadd.s32 $0x40, s13  }
0x19: {  	[tilespmem:s2], [sflag:$0x2] =	stream.linear.gather [hbm4b:s14+s2], $0x200, $0x38;
	[tilespmem:$0x10200] =	vst v63  }
0x1a: {  	p0 =	sne.s32 s13, $0x740;
	_ =	swait.ge [sflag:s7], $0x200  }
0x1b: {  	[sflag:s7] =	ssyncset.done $0x0  }
0x1c: {  	[sflag:s7] =	ssyncadd.s32 $0xFFFFFE00  }
0x1d: {  	[tilespmem:s8], [sflag:$0x1] =	stream.indirect.gather [hbm4b:s3+s8], $0x80, s2, s8, $0xb8;
	[tilespmem:$0x10200] =	vst v63  }
0x1e: {  	_ =	swait.ge [sflag:s9], $0x10000  }
.Ltmp0:
0x1f: {  	[sflag:s9] =	ssyncset.done $0x0;
	(pc) =	sbr.rel @p0 .LBB2_2-.Ltmp0, $4  }
0x20: {  	[sflag:s9] =	ssyncadd.s32 $0xFFFF0000  }
0x21: {  	[hbm4b:s11+s2] =	stream.linear.scatter [tilespmem:s8], [sflag:$0x2], $0x10000, $0x38;
	[tilespmem:$0x10200] =	vst v63  }
0x22: {  	_ =	swait.ge [sflag:s7], $0x10000  }
0x23: {  	s13 =	smov.u32 s15;
	s11 =	sadd.s32 $0x2000, s11;
	[sflag:s7] =	ssyncset.done $0x0  }
0x24: {  	s12 =	sadd.s32 s12, s6;
	[sflag:s7] =	ssyncadd.s32 $0xFFFF0000  }
0x25: {  	[tilespmem:s2], [sflag:$0x2] =	stream.linear.gather [hbm4b:s12+s2], $0x200, $0x38;
	[tilespmem:$0x10200] =	vst v63  }
0x26: {  	_ =	swait.ge [sflag:s7], $0x200  }
0x27: {  	[sflag:s7] =	ssyncset.done $0x0  }
0x28: {  	[sflag:s7] =	ssyncadd.s32 $0xFFFFFE00  }
0x29: {  	[tilespmem:s8], [sflag:$0x1] =	stream.indirect.gather [hbm4b:s3+s8], $0x80, s2, s8, $0xb8;
	[tilespmem:$0x10200] =	vst v63  }
0x2a: {  	s10 =	sadd.s32 $0x1, s10;
	_ =	swait.ge [sflag:s9], $0x10000  }
0x2b: {  	p0 =	sne.s32 s10, s4;
	[sflag:s9] =	ssyncset.done $0x0  }
.Ltmp1:
0x2c: {  	[sflag:s9] =	ssyncadd.s32 $0xFFFF0000;
	(pc) =	sbr.rel @p0 .LBB2_1-.Ltmp1, $4  }
0x2d: {  	[hbm4b:s11+s2] =	stream.linear.scatter [tilespmem:s8], [sflag:$0x2], $0x10000, $0x38;
	[tilespmem:$0x10200] =	vst v63  }
0x2e: {  	_ =	swait.ge [sflag:s7], $0x10000  }
0x2f: {  	[sflag:s7] =	ssyncset.done $0x0  }
0x30: {  	[sflag:s7] =	ssyncadd.s32 $0xFFFF0000  }
0x31: {  	_ =	sfence.sel $0x180000  }
0x32: {  	[bflag:$0x0] =	sbarrier.arrive $0xFFFF  }
0x33: {  	p0 =	sne.s32 s1, $0x0;
	_ =	strace $0x90000047  }
0x34: {  	s0 =	sadd.s32 @!p0 $0x100000, s0;
	[bflag:$0x2] =	sbarrier.arrive $0xFFFF  }
0x35: {  	[sflag:s0] =	ssyncadd.tile.s32 @!p0 $0x1;
	_ =	shalt  }
.Lfunc_end2:
_tile_overlayer_lowered:
.L_overlay_start_2:
0x36: {  	(tag) =	ssettag $0x2  }
0x37: {  	s0 =	rddreg [dreg:$0x0];
	s2 =	stileid.u32  }
0x38: {  	s1 =	rddreg [dreg:$0x1];
	p0 =	sne.s32 s2, $0x0  }
0x39: {  	s3 =	rddreg [dreg:$0x2];
	[bflag:$0x3] =	sbarrier.arrive $0xFFFF;
	s2 =	simm.s32 @!p0 $0x1C02  }
0x3a: {  	[timem:s3], [sflag:s2] =	dma.local @!p0 [hbm:s0], s1  }
0x3b: {  	s0 =	simm.s32 @!p0 $0x2  }
0x3c: {  	_ =	swait.ge @!p0 [sflag:s0], s1  }
0x3d: {  	s1 =	ssub.s32 @!p0 $0x0, s1;
	[sflag:s0] =	ssyncset.done @!p0 $0x0  }
0x3e: {  	[sflag:s0] =	ssyncadd.s32 @!p0 s1  }
0x3f: {  	[bflag:$0x3] =	sbarrier.arrive $0xFFFF  }
0x40: {  	_ =	shalt  }

</sc_bundles>
